<compile_context>
chip_gen: v7x
topology: tpu7x:2x2x1
jax: 0.10.2.dev20260603
libtpu: 0.0.44.dev20260713+nightly
codegen_flags: <defaults>
</compile_context>

<pallas_src>
import numpy as np
import jax
import jax.numpy as jnp
from jax import lax
from jax.experimental import pallas as pl
from jax.experimental.pallas import tpu as pltpu
from jax.experimental.pallas import tpu_sc as plsc

_N_LABELS = 2048
_MAX_DEPTH = 4
_BATCH = 4096
_N_ROWS = 88
_N_WORDS = _N_LABELS // 4
_NW = 32
_N_REP = 32
_B_PER_W = _BATCH // _NW
_L = 16


def _build_onehot():
    a = np.zeros((_N_ROWS + 8, 16), np.float32)
    r = 1
    for d in range(1, _MAX_DEPTH):
        for g in range(4 ** d):
            a[r, d - 1] = 1.0
            a[r, 4] = -float(g)
            r += 1
    for d, off in ((1, 1.0), (2, 5.0), (3, 21.0)):
        a[_N_ROWS + d, d - 1] = 1.0
        a[_N_ROWS + d, 4] = off
    return a


_A_CONST = _build_onehot()


def _tables_body(pool_ref, a_ref, t_ref, r_ref):
    pf = pool_ref[...].astype(jnp.float32)
    pe = jnp.concatenate([
        pf,
        jnp.ones((_N_LABELS, 1), jnp.float32),
        jnp.zeros((_N_LABELS, 11), jnp.float32),
    ], axis=1)
    a = a_ref[0:_N_ROWS, :]
    t = jnp.zeros((_N_ROWS, _N_WORDS), jnp.int32)
    for k in range(4):
        blk = pe[k * _N_WORDS:(k + 1) * _N_WORDS, :]
        s = lax.dot_general(a, blk, (((1,), (1,)), ((), ())),
                            preferred_element_type=jnp.float32)
        t = t | ((s == 0.0).astype(jnp.int32) << (8 * k))
    for i in range(_N_REP):
        t_ref[pl.ds(i * _N_ROWS, _N_ROWS), :] = t
    e = a_ref[_N_ROWS:_N_ROWS + 4, :]
    rr = lax.dot_general(e, pe, (((1,), (1,)), ((), ())),
                         preferred_element_type=jnp.float32)
    r_ref[...] = jnp.clip(rr, 0.0, 84.0).astype(jnp.int32)


_build_tables = pl.pallas_call(
    _tables_body,
    out_shape=(
        jax.ShapeDtypeStruct((_N_REP * _N_ROWS, _N_WORDS), jnp.int32),
        jax.ShapeDtypeStruct((_MAX_DEPTH, _N_LABELS), jnp.int32),
    ),
)

_N_CHUNK = 8
_ROWS_PER_CHUNK = _B_PER_W // _N_CHUNK


def _sc_body(t_hbm, r_hbm, yl_hbm, d_hbm, out_hbm,
             rof_v, yl_v, d_v, ridx_v, rows_v,
             gs0, gs1, gs2, gs3, gs4, gs5, gs6, gs7, wsem, rsem, ysem):
    wid = lax.axis_index("s") * 2 + lax.axis_index("c")
    base = wid * _B_PER_W
    with jax.named_scope("inputs"):
        rload = pltpu.async_copy(r_hbm, rof_v, rsem)
        yload = pltpu.async_copy(yl_hbm.at[pl.ds(base, _B_PER_W)], yl_v,
                                 ysem)
        pltpu.sync_copy(d_hbm.at[pl.ds(base, _B_PER_W)], d_v)
        yload.wait()
        rload.wait()

    with jax.named_scope("rowids"):
        toff = wid * _N_ROWS
        for k in range(_B_PER_W // _L):
            yl = yl_v[pl.ds(k * _L, _L)]
            dv = d_v[pl.ds(k * _L, _L)]
            ridx_v[pl.ds(k * _L, _L)] = toff + plsc.load_gather(
                rof_v, [dv, yl])

    gsems = (gs0, gs1, gs2, gs3, gs4, gs5, gs6, gs7)
    with jax.named_scope("gather_start"):
        gathers = [
            pltpu.async_copy(
                t_hbm.at[ridx_v.at[pl.ds(k * _ROWS_PER_CHUNK,
                                         _ROWS_PER_CHUNK)]],
                rows_v.at[k], gsems[k])
            for k in range(_N_CHUNK)
        ]
    writes = []
    for k in range(_N_CHUNK):
        with jax.named_scope(f"gwait{k}"):
            gathers[k].wait()
        with jax.named_scope(f"wstart{k}"):
            writes.append(pltpu.async_copy(
                rows_v.at[k],
                out_hbm.at[pl.ds(base + k * _ROWS_PER_CHUNK,
                                 _ROWS_PER_CHUNK)],
                wsem))
    with jax.named_scope("wwait"):
        for w in writes:
            w.wait()


_SC_GATHER = None


def _sc_gather():
    global _SC_GATHER
    if _SC_GATHER is None:
        _SC_GATHER = pl.kernel(
            _sc_body,
            out_type=jax.ShapeDtypeStruct((_BATCH, _N_WORDS), jnp.int32),
            mesh=plsc.VectorSubcoreMesh(core_axis_name="c",
                                        subcore_axis_name="s"),
            scratch_types=[
                pltpu.VMEM((_MAX_DEPTH, _N_LABELS), jnp.int32),
                pltpu.VMEM((_B_PER_W,), jnp.int32),
                pltpu.VMEM((_B_PER_W,), jnp.int32),
                pltpu.VMEM((_B_PER_W,), jnp.int32),
                pltpu.VMEM((_N_CHUNK, _ROWS_PER_CHUNK, _N_WORDS), jnp.int32),
                pltpu.SemaphoreType.DMA,
                pltpu.SemaphoreType.DMA,
                pltpu.SemaphoreType.DMA,
                pltpu.SemaphoreType.DMA,
                pltpu.SemaphoreType.DMA,
                pltpu.SemaphoreType.DMA,
                pltpu.SemaphoreType.DMA,
                pltpu.SemaphoreType.DMA,
                pltpu.SemaphoreType.DMA,
                pltpu.SemaphoreType.DMA,
                pltpu.SemaphoreType.DMA,
            ],
            compiler_params=pltpu.CompilerParams(needs_layout_passes=False),
        )
    return _SC_GATHER


def kernel(y, depths, label_pool):
    yl = y[:, -1]
    dd = depths[:, 0]
    t, r = _build_tables(label_pool, jnp.asarray(_A_CONST))
    words = _sc_gather()(t, r, yl, dd)
    return jnp.concatenate(
        [((words >> (8 * k)) & 1).astype(jnp.bool_) for k in range(4)],
        axis=1)

# --- scband reference (transcript-rebuilt; emitter-appended) ---
"""Pipeline reference for scband-hierachical-label-masking-63024350101579 (READ-ONLY COPY).

The authoritative reference and input builder live on the scoring server;
editing this copy changes nothing except your own understanding.
"""

import jax, jax.numpy as jnp
import numpy as np

N_LABELS = 2048
MAX_DEPTH = 4
BATCH = 4096


def _make_label_pool(rng):
    # hierarchical labels: column d has coarser grouping for small d
    cols = []
    for d in range(MAX_DEPTH):
        n_groups = min(4 ** (d + 1), N_LABELS)
        cols.append(rng.integers(0, n_groups, size=N_LABELS))
    return np.stack(cols, axis=1).astype(np.int32)


def setup_inputs(seed: int = 0):
    key = jax.random.key(seed)
    k1, k2 = jax.random.split(key, 2)
    y = jax.random.randint(k1, (BATCH, MAX_DEPTH), 0, N_LABELS, dtype=jnp.int32)
    depths = jax.random.randint(k2, (BATCH, 1), 0, MAX_DEPTH, dtype=jnp.int32)
    label_pool = jnp.asarray(_make_label_pool(np.random.default_rng(0)))
    return {"y": y, "depths": depths, "label_pool": label_pool}


def reference(y, depths, label_pool):
    # build(): adversaries[depth, i, j] = (label_pool[i, depth-1] == label_pool[j, depth-1]); depth 0 all True
    n_labels, max_depth = label_pool.shape
    advs = [jnp.ones((n_labels, n_labels), dtype=bool)]
    for depth in range(1, max_depth):
        col = label_pool[:, depth - 1]
        advs.append(col[:, None] == col[None, :])
    adversaries = jnp.stack(advs, axis=0)
    # call() inference path (shared=True, training=False): depths provided
    y_leaf = y[:, -1]
    gather_idx = jnp.concatenate([depths, y_leaf[:, None]], axis=1)
    out = adversaries[gather_idx[:, 0], gather_idx[:, 1]]  # gather_nd -> [B, n_labels] bool
    return out

if __name__ == "__main__":
    import jax
    _d = setup_inputs()
    print(jax.jit(kernel)(*tuple(_d.values())))

</pallas_src>

<mosaic_0001>
#map = affine_map<(d0, d1) -> (0, 0)>
#map1 = affine_map<(d0, d1) -> (0)>
module attributes {stable_mosaic.version = 14 : i64} {
  func.func @_sc_body(%arg0: i32, %arg1: i32, %arg2: memref<2816x512xi32, #tpu.memory_space<hbm>>, %arg3: memref<4x2048xi32, #tpu.memory_space<hbm>>, %arg4: memref<4096xi32, #tpu.memory_space<hbm>>, %arg5: memref<4096xi32, #tpu.memory_space<hbm>>, %arg6: memref<4096x512xi32, #tpu.memory_space<hbm>>, %arg7: memref<4x2048xi32, #tpu.memory_space<vmem>>, %arg8: memref<128xi32, #tpu.memory_space<vmem>>, %arg9: memref<128xi32, #tpu.memory_space<vmem>>, %arg10: memref<128xi32, #tpu.memory_space<vmem>>, %arg11: memref<8x16x512xi32, #tpu.memory_space<vmem>>, %arg12: memref<!tpu.dma_semaphore, #tpu.memory_space<semaphore_mem>>, %arg13: memref<!tpu.dma_semaphore, #tpu.memory_space<semaphore_mem>>, %arg14: memref<!tpu.dma_semaphore, #tpu.memory_space<semaphore_mem>>, %arg15: memref<!tpu.dma_semaphore, #tpu.memory_space<semaphore_mem>>, %arg16: memref<!tpu.dma_semaphore, #tpu.memory_space<semaphore_mem>>, %arg17: memref<!tpu.dma_semaphore, #tpu.memory_space<semaphore_mem>>, %arg18: memref<!tpu.dma_semaphore, #tpu.memory_space<semaphore_mem>>, %arg19: memref<!tpu.dma_semaphore, #tpu.memory_space<semaphore_mem>>, %arg20: memref<!tpu.dma_semaphore, #tpu.memory_space<semaphore_mem>>, %arg21: memref<!tpu.dma_semaphore, #tpu.memory_space<semaphore_mem>>, %arg22: memref<!tpu.dma_semaphore, #tpu.memory_space<semaphore_mem>>) attributes {dimension_semantics = [#tpu.dimension_semantics<core_parallel>, #tpu.dimension_semantics<subcore_parallel>], iteration_bounds = array<i64: 2, 16>, scalar_prefetch = 0 : i64, scratch_operands = 16 : i64, tpu.core_type = #tpu.core_type<sc_vector_subcore>, window_params = [{transform_indices = #map}, {transform_indices = #map}, {transform_indices = #map1}, {transform_indices = #map1}, {transform_indices = #map}]} {
    %mul3A = arith.constant 2 : i32
    %mul3A_0 = arith.muli %arg1, %mul3A : i32
    %add3A = arith.addi %mul3A_0, %arg0 : i32
    %mul3A_1 = arith.constant 128 : i32
    %mul3A_2 = arith.muli %add3A, %mul3A_1 : i32
    "tpu.trace_start"() <{level = 10 : i32, message = "inputs"}> : () -> ()
    tpu.enqueue_dma source(%arg3 : memref<4x2048xi32, #tpu.memory_space<hbm>>) target(%arg7 : memref<4x2048xi32, #tpu.memory_space<vmem>>) target_semaphore(%arg21 : memref<!tpu.dma_semaphore, #tpu.memory_space<semaphore_mem>>)
    %dma_start3A = tpu.memref_slice %arg4[%mul3A_2] : memref<4096xi32, #tpu.memory_space<hbm>> -> memref<128xi32, #tpu.memory_space<hbm>>
    %dma_start3A_3 = tpu.memref_slice %arg4[%mul3A_2] : memref<4096xi32, #tpu.memory_space<hbm>> -> memref<128xi32, #tpu.memory_space<hbm>>
    tpu.enqueue_dma source(%dma_start3A_3 : memref<128xi32, #tpu.memory_space<hbm>>) target(%arg8 : memref<128xi32, #tpu.memory_space<vmem>>) target_semaphore(%arg22 : memref<!tpu.dma_semaphore, #tpu.memory_space<semaphore_mem>>)
    "tpu.region"() ({
      %run_scoped3A = tpu.sem_alloc : memref<!tpu.dma_semaphore, #tpu.memory_space<semaphore_mem>>
      %dma_start3A_460 = tpu.memref_slice %arg5[%mul3A_2] : memref<4096xi32, #tpu.memory_space<hbm>> -> memref<128xi32, #tpu.memory_space<hbm>>
      %dma_start3A_461 = tpu.memref_slice %arg5[%mul3A_2] : memref<4096xi32, #tpu.memory_space<hbm>> -> memref<128xi32, #tpu.memory_space<hbm>>
      tpu.enqueue_dma source(%dma_start3A_461 : memref<128xi32, #tpu.memory_space<hbm>>) target(%arg9 : memref<128xi32, #tpu.memory_space<vmem>>) target_semaphore(%run_scoped3A : memref<!tpu.dma_semaphore, #tpu.memory_space<semaphore_mem>>)
      %dma_wait3A_462 = tpu.memref_slice %arg5[%mul3A_2] : memref<4096xi32, #tpu.memory_space<hbm>> -> memref<128xi32, #tpu.memory_space<hbm>>
      %dma_wait3A_463 = tpu.memref_slice %arg5[%mul3A_2] : memref<4096xi32, #tpu.memory_space<hbm>> -> memref<128xi32, #tpu.memory_space<hbm>>
      tpu.wait_dma2 semaphore(%run_scoped3A : memref<!tpu.dma_semaphore, #tpu.memory_space<semaphore_mem>>) src(%dma_wait3A_463 : memref<128xi32, #tpu.memory_space<hbm>>) dst(%arg9 : memref<128xi32, #tpu.memory_space<vmem>>)
      tpu.yield
    }) : () -> ()
    %dma_wait3A = tpu.memref_slice %arg4[%mul3A_2] : memref<4096xi32, #tpu.memory_space<hbm>> -> memref<128xi32, #tpu.memory_space<hbm>>
    %dma_wait3A_4 = tpu.memref_slice %arg4[%mul3A_2] : memref<4096xi32, #tpu.memory_space<hbm>> -> memref<128xi32, #tpu.memory_space<hbm>>
    tpu.wait_dma2 semaphore(%arg22 : memref<!tpu.dma_semaphore, #tpu.memory_space<semaphore_mem>>) src(%dma_wait3A_4 : memref<128xi32, #tpu.memory_space<hbm>>) dst(%arg8 : memref<128xi32, #tpu.memory_space<vmem>>)
    tpu.wait_dma2 semaphore(%arg21 : memref<!tpu.dma_semaphore, #tpu.memory_space<semaphore_mem>>) src(%arg3 : memref<4x2048xi32, #tpu.memory_space<hbm>>) dst(%arg7 : memref<4x2048xi32, #tpu.memory_space<vmem>>)
    "tpu.trace_stop"() : () -> ()
    "tpu.trace_start"() <{level = 10 : i32, message = "rowids"}> : () -> ()
    %mul3A_5 = arith.constant 88 : i32
    %mul3A_6 = arith.muli %add3A, %mul3A_5 : i32
    %get3A = arith.constant 0 : index
    %get3A_7 = tpu.vector_load %arg8[%get3A] {strides = array<i32>} : memref<128xi32, #tpu.memory_space<vmem>>, vector<16xi32>,
    %get3A_8 = arith.constant 0 : index
    %get3A_9 = tpu.vector_load %arg9[%get3A_8] {strides = array<i32>} : memref<128xi32, #tpu.memory_space<vmem>>, vector<16xi32>,
    %gather3A = tpu.vector_load_idx %arg7[%get3A_9, %get3A_7] : memref<4x2048xi32, #tpu.memory_space<vmem>>[vector<16xi32>, vector<16xi32>], vector<16xi32>,
    %add3A_10 = vector.broadcast %mul3A_6 : i32 to vector<16xi32>
    %add3A_11 = arith.addi %add3A_10, %gather3A : vector<16xi32>
    %swap3A = arith.constant 0 : index
    %swap3A_12 = tpu.vector_load %arg10[%swap3A] {strides = array<i32>} : memref<128xi32, #tpu.memory_space<vmem>>, vector<16xi32>,
    tpu.vector_store %arg10[%swap3A], %add3A_11 {strides = array<i32>} : memref<128xi32, #tpu.memory_space<vmem>>, vector<16xi32>,
    %get3A_13 = arith.constant 16 : index
    %get3A_14 = tpu.vector_load %arg8[%get3A_13] {strides = array<i32>} : memref<128xi32, #tpu.memory_space<vmem>>, vector<16xi32>,
    %get3A_15 = arith.constant 16 : index
    %get3A_16 = tpu.vector_load %arg9[%get3A_15] {strides = array<i32>} : memref<128xi32, #tpu.memory_space<vmem>>, vector<16xi32>,
    %gather3A_17 = tpu.vector_load_idx %arg7[%get3A_16, %get3A_14] : memref<4x2048xi32, #tpu.memory_space<vmem>>[vector<16xi32>, vector<16xi32>], vector<16xi32>,
    %add3A_18 = vector.broadcast %mul3A_6 : i32 to vector<16xi32>
    %add3A_19 = arith.addi %add3A_18, %gather3A_17 : vector<16xi32>
    %swap3A_20 = arith.constant 16 : index
    %swap3A_21 = tpu.vector_load %arg10[%swap3A_20] {strides = array<i32>} : memref<128xi32, #tpu.memory_space<vmem>>, vector<16xi32>,
    tpu.vector_store %arg10[%swap3A_20], %add3A_19 {strides = array<i32>} : memref<128xi32, #tpu.memory_space<vmem>>, vector<16xi32>,
    %get3A_22 = arith.constant 32 : index
    %get3A_23 = tpu.vector_load %arg8[%get3A_22] {strides = array<i32>} : memref<128xi32, #tpu.memory_space<vmem>>, vector<16xi32>,
    %get3A_24 = arith.constant 32 : index
    %get3A_25 = tpu.vector_load %arg9[%get3A_24] {strides = array<i32>} : memref<128xi32, #tpu.memory_space<vmem>>, vector<16xi32>,
    %gather3A_26 = tpu.vector_load_idx %arg7[%get3A_25, %get3A_23] : memref<4x2048xi32, #tpu.memory_space<vmem>>[vector<16xi32>, vector<16xi32>], vector<16xi32>,
    %add3A_27 = vector.broadcast %mul3A_6 : i32 to vector<16xi32>
    %add3A_28 = arith.addi %add3A_27, %gather3A_26 : vector<16xi32>
    %swap3A_29 = arith.constant 32 : index
    %swap3A_30 = tpu.vector_load %arg10[%swap3A_29] {strides = array<i32>} : memref<128xi32, #tpu.memory_space<vmem>>, vector<16xi32>,
    tpu.vector_store %arg10[%swap3A_29], %add3A_28 {strides = array<i32>} : memref<128xi32, #tpu.memory_space<vmem>>, vector<16xi32>,
    %get3A_31 = arith.constant 48 : index
    %get3A_32 = tpu.vector_load %arg8[%get3A_31] {strides = array<i32>} : memref<128xi32, #tpu.memory_space<vmem>>, vector<16xi32>,
    %get3A_33 = arith.constant 48 : index
    %get3A_34 = tpu.vector_load %arg9[%get3A_33] {strides = array<i32>} : memref<128xi32, #tpu.memory_space<vmem>>, vector<16xi32>,
    %gather3A_35 = tpu.vector_load_idx %arg7[%get3A_34, %get3A_32] : memref<4x2048xi32, #tpu.memory_space<vmem>>[vector<16xi32>, vector<16xi32>], vector<16xi32>,
    %add3A_36 = vector.broadcast %mul3A_6 : i32 to vector<16xi32>
    %add3A_37 = arith.addi %add3A_36, %gather3A_35 : vector<16xi32>
    %swap3A_38 = arith.constant 48 : index
    %swap3A_39 = tpu.vector_load %arg10[%swap3A_38] {strides = array<i32>} : memref<128xi32, #tpu.memory_space<vmem>>, vector<16xi32>,
    tpu.vector_store %arg10[%swap3A_38], %add3A_37 {strides = array<i32>} : memref<128xi32, #tpu.memory_space<vmem>>, vector<16xi32>,
    %get3A_40 = arith.constant 64 : index
    %get3A_41 = tpu.vector_load %arg8[%get3A_40] {strides = array<i32>} : memref<128xi32, #tpu.memory_space<vmem>>, vector<16xi32>,
    %get3A_42 = arith.constant 64 : index
    %get3A_43 = tpu.vector_load %arg9[%get3A_42] {strides = array<i32>} : memref<128xi32, #tpu.memory_space<vmem>>, vector<16xi32>,
    %gather3A_44 = tpu.vector_load_idx %arg7[%get3A_43, %get3A_41] : memref<4x2048xi32, #tpu.memory_space<vmem>>[vector<16xi32>, vector<16xi32>], vector<16xi32>,
    %add3A_45 = vector.broadcast %mul3A_6 : i32 to vector<16xi32>
    %add3A_46 = arith.addi %add3A_45, %gather3A_44 : vector<16xi32>
    %swap3A_47 = arith.constant 64 : index
    %swap3A_48 = tpu.vector_load %arg10[%swap3A_47] {strides = array<i32>} : memref<128xi32, #tpu.memory_space<vmem>>, vector<16xi32>,
    tpu.vector_store %arg10[%swap3A_47], %add3A_46 {strides = array<i32>} : memref<128xi32, #tpu.memory_space<vmem>>, vector<16xi32>,
    %get3A_49 = arith.constant 80 : index
    %get3A_50 = tpu.vector_load %arg8[%get3A_49] {strides = array<i32>} : memref<128xi32, #tpu.memory_space<vmem>>, vector<16xi32>,
    %get3A_51 = arith.constant 80 : index
    %get3A_52 = tpu.vector_load %arg9[%get3A_51] {strides = array<i32>} : memref<128xi32, #tpu.memory_space<vmem>>, vector<16xi32>,
    %gather3A_53 = tpu.vector_load_idx %arg7[%get3A_52, %get3A_50] : memref<4x2048xi32, #tpu.memory_space<vmem>>[vector<16xi32>, vector<16xi32>], vector<16xi32>,
    %add3A_54 = vector.broadcast %mul3A_6 : i32 to vector<16xi32>
    %add3A_55 = arith.addi %add3A_54, %gather3A_53 : vector<16xi32>
    %swap3A_56 = arith.constant 80 : index
    %swap3A_57 = tpu.vector_load %arg10[%swap3A_56] {strides = array<i32>} : memref<128xi32, #tpu.memory_space<vmem>>, vector<16xi32>,
    tpu.vector_store %arg10[%swap3A_56], %add3A_55 {strides = array<i32>} : memref<128xi32, #tpu.memory_space<vmem>>, vector<16xi32>,
    %get3A_58 = arith.constant 96 : index
    %get3A_59 = tpu.vector_load %arg8[%get3A_58] {strides = array<i32>} : memref<128xi32, #tpu.memory_space<vmem>>, vector<16xi32>,
    %get3A_60 = arith.constant 96 : index
    %get3A_61 = tpu.vector_load %arg9[%get3A_60] {strides = array<i32>} : memref<128xi32, #tpu.memory_space<vmem>>, vector<16xi32>,
    %gather3A_62 = tpu.vector_load_idx %arg7[%get3A_61, %get3A_59] : memref<4x2048xi32, #tpu.memory_space<vmem>>[vector<16xi32>, vector<16xi32>], vector<16xi32>,
    %add3A_63 = vector.broadcast %mul3A_6 : i32 to vector<16xi32>
    %add3A_64 = arith.addi %add3A_63, %gather3A_62 : vector<16xi32>
    %swap3A_65 = arith.constant 96 : index
    %swap3A_66 = tpu.vector_load %arg10[%swap3A_65] {strides = array<i32>} : memref<128xi32, #tpu.memory_space<vmem>>, vector<16xi32>,
    tpu.vector_store %arg10[%swap3A_65], %add3A_64 {strides = array<i32>} : memref<128xi32, #tpu.memory_space<vmem>>, vector<16xi32>,
    %get3A_67 = arith.constant 112 : index
    %get3A_68 = tpu.vector_load %arg8[%get3A_67] {strides = array<i32>} : memref<128xi32, #tpu.memory_space<vmem>>, vector<16xi32>,
    %get3A_69 = arith.constant 112 : index
    %get3A_70 = tpu.vector_load %arg9[%get3A_69] {strides = array<i32>} : memref<128xi32, #tpu.memory_space<vmem>>, vector<16xi32>,
    %gather3A_71 = tpu.vector_load_idx %arg7[%get3A_70, %get3A_68] : memref<4x2048xi32, #tpu.memory_space<vmem>>[vector<16xi32>, vector<16xi32>], vector<16xi32>,
    %add3A_72 = vector.broadcast %mul3A_6 : i32 to vector<16xi32>
    %add3A_73 = arith.addi %add3A_72, %gather3A_71 : vector<16xi32>
    %swap3A_74 = arith.constant 112 : index
    %swap3A_75 = tpu.vector_load %arg10[%swap3A_74] {strides = array<i32>} : memref<128xi32, #tpu.memory_space<vmem>>, vector<16xi32>,
    tpu.vector_store %arg10[%swap3A_74], %add3A_73 {strides = array<i32>} : memref<128xi32, #tpu.memory_space<vmem>>, vector<16xi32>,
    %dma_start3A_76 = arith.constant 0 : i32
    "tpu.trace_stop"() : () -> ()
    "tpu.trace_start"() <{level = 10 : i32, message = "gather_start"}> : () -> ()
    %dma_start3A_77 = arith.constant 0 : i32
    %dma_start3A_78 = arith.constant 0 : i32
    %dma_start3A_79 = tpu.memref_slice %arg11[%dma_start3A_76, %dma_start3A_77, %dma_start3A_78] : memref<8x16x512xi32, #tpu.memory_space<vmem>> -> memref<1x16x512xi32, #tpu.memory_space<vmem>>
    %dma_start3A_80 = tpu.memref_squeeze %dma_start3A_79 : memref<1x16x512xi32, #tpu.memory_space<vmem>> -> memref<16x512xi32, #tpu.memory_space<vmem>>
    %dma_start3A_81 = arith.constant 0 : i32
    %dma_start3A_82 = tpu.memref_slice %arg10[%dma_start3A_81] : memref<128xi32, #tpu.memory_space<vmem>> -> memref<16xi32, #tpu.memory_space<vmem>>
    %dma_start3A_83 = arith.constant 0 : i32
    %dma_start3A_84 = arith.constant 0 : i32
    %dma_start3A_85 = tpu.memref_slice %arg2[%dma_start3A_83, %dma_start3A_84] : memref<2816x512xi32, #tpu.memory_space<hbm>> -> memref<2816x512xi32, #tpu.memory_space<hbm>>
    tpu.enqueue_indirect_dma source(%dma_start3A_85 : memref<2816x512xi32, #tpu.memory_space<hbm>>) target(%dma_start3A_80 : memref<16x512xi32, #tpu.memory_space<vmem>>) offsets(%dma_start3A_82 : memref<16xi32, #tpu.memory_space<vmem>>) semaphore(%arg12 : memref<!tpu.dma_semaphore, #tpu.memory_space<semaphore_mem>>)
    %dma_start3A_86 = arith.constant 1 : i32
    %dma_start3A_87 = arith.constant 0 : i32
    %dma_start3A_88 = arith.constant 0 : i32
    %dma_start3A_89 = tpu.memref_slice %arg11[%dma_start3A_86, %dma_start3A_87, %dma_start3A_88] : memref<8x16x512xi32, #tpu.memory_space<vmem>> -> memref<1x16x512xi32, #tpu.memory_space<vmem>>
    %dma_start3A_90 = tpu.memref_squeeze %dma_start3A_89 : memref<1x16x512xi32, #tpu.memory_space<vmem>> -> memref<16x512xi32, #tpu.memory_space<vmem>>
    %dma_start3A_91 = arith.constant 16 : i32
    %dma_start3A_92 = tpu.memref_slice %arg10[%dma_start3A_91] : memref<128xi32, #tpu.memory_space<vmem>> -> memref<16xi32, #tpu.memory_space<vmem>>
    %dma_start3A_93 = arith.constant 0 : i32
    %dma_start3A_94 = arith.constant 0 : i32
    %dma_start3A_95 = tpu.memref_slice %arg2[%dma_start3A_93, %dma_start3A_94] : memref<2816x512xi32, #tpu.memory_space<hbm>> -> memref<2816x512xi32, #tpu.memory_space<hbm>>
    tpu.enqueue_indirect_dma source(%dma_start3A_95 : memref<2816x512xi32, #tpu.memory_space<hbm>>) target(%dma_start3A_90 : memref<16x512xi32, #tpu.memory_space<vmem>>) offsets(%dma_start3A_92 : memref<16xi32, #tpu.memory_space<vmem>>) semaphore(%arg13 : memref<!tpu.dma_semaphore, #tpu.memory_space<semaphore_mem>>)
    %dma_start3A_96 = arith.constant 2 : i32
    %dma_start3A_97 = arith.constant 0 : i32
    %dma_start3A_98 = arith.constant 0 : i32
    %dma_start3A_99 = tpu.memref_slice %arg11[%dma_start3A_96, %dma_start3A_97, %dma_start3A_98] : memref<8x16x512xi32, #tpu.memory_space<vmem>> -> memref<1x16x512xi32, #tpu.memory_space<vmem>>
    %dma_start3A_100 = tpu.memref_squeeze %dma_start3A_99 : memref<1x16x512xi32, #tpu.memory_space<vmem>> -> memref<16x512xi32, #tpu.memory_space<vmem>>
    %dma_start3A_101 = arith.constant 32 : i32
    %dma_start3A_102 = tpu.memref_slice %arg10[%dma_start3A_101] : memref<128xi32, #tpu.memory_space<vmem>> -> memref<16xi32, #tpu.memory_space<vmem>>
    %dma_start3A_103 = arith.constant 0 : i32
    %dma_start3A_104 = arith.constant 0 : i32
    %dma_start3A_105 = tpu.memref_slice %arg2[%dma_start3A_103, %dma_start3A_104] : memref<2816x512xi32, #tpu.memory_space<hbm>> -> memref<2816x512xi32, #tpu.memory_space<hbm>>
    tpu.enqueue_indirect_dma source(%dma_start3A_105 : memref<2816x512xi32, #tpu.memory_space<hbm>>) target(%dma_start3A_100 : memref<16x512xi32, #tpu.memory_space<vmem>>) offsets(%dma_start3A_102 : memref<16xi32, #tpu.memory_space<vmem>>) semaphore(%arg14 : memref<!tpu.dma_semaphore, #tpu.memory_space<semaphore_mem>>)
    %dma_start3A_106 = arith.constant 3 : i32
    %dma_start3A_107 = arith.constant 0 : i32
    %dma_start3A_108 = arith.constant 0 : i32
    %dma_start3A_109 = tpu.memref_slice %arg11[%dma_start3A_106, %dma_start3A_107, %dma_start3A_108] : memref<8x16x512xi32, #tpu.memory_space<vmem>> -> memref<1x16x512xi32, #tpu.memory_space<vmem>>
    %dma_start3A_110 = tpu.memref_squeeze %dma_start3A_109 : memref<1x16x512xi32, #tpu.memory_space<vmem>> -> memref<16x512xi32, #tpu.memory_space<vmem>>
    %dma_start3A_111 = arith.constant 48 : i32
    %dma_start3A_112 = tpu.memref_slice %arg10[%dma_start3A_111] : memref<128xi32, #tpu.memory_space<vmem>> -> memref<16xi32, #tpu.memory_space<vmem>>
    %dma_start3A_113 = arith.constant 0 : i32
    %dma_start3A_114 = arith.constant 0 : i32
    %dma_start3A_115 = tpu.memref_slice %arg2[%dma_start3A_113, %dma_start3A_114] : memref<2816x512xi32, #tpu.memory_space<hbm>> -> memref<2816x512xi32, #tpu.memory_space<hbm>>
    tpu.enqueue_indirect_dma source(%dma_start3A_115 : memref<2816x512xi32, #tpu.memory_space<hbm>>) target(%dma_start3A_110 : memref<16x512xi32, #tpu.memory_space<vmem>>) offsets(%dma_start3A_112 : memref<16xi32, #tpu.memory_space<vmem>>) semaphore(%arg15 : memref<!tpu.dma_semaphore, #tpu.memory_space<semaphore_mem>>)
    %dma_start3A_116 = arith.constant 4 : i32
    %dma_start3A_117 = arith.constant 0 : i32
    %dma_start3A_118 = arith.constant 0 : i32
    %dma_start3A_119 = tpu.memref_slice %arg11[%dma_start3A_116, %dma_start3A_117, %dma_start3A_118] : memref<8x16x512xi32, #tpu.memory_space<vmem>> -> memref<1x16x512xi32, #tpu.memory_space<vmem>>
    %dma_start3A_120 = tpu.memref_squeeze %dma_start3A_119 : memref<1x16x512xi32, #tpu.memory_space<vmem>> -> memref<16x512xi32, #tpu.memory_space<vmem>>
    %dma_start3A_121 = arith.constant 64 : i32
    %dma_start3A_122 = tpu.memref_slice %arg10[%dma_start3A_121] : memref<128xi32, #tpu.memory_space<vmem>> -> memref<16xi32, #tpu.memory_space<vmem>>
    %dma_start3A_123 = arith.constant 0 : i32
    %dma_start3A_124 = arith.constant 0 : i32
    %dma_start3A_125 = tpu.memref_slice %arg2[%dma_start3A_123, %dma_start3A_124] : memref<2816x512xi32, #tpu.memory_space<hbm>> -> memref<2816x512xi32, #tpu.memory_space<hbm>>
    tpu.enqueue_indirect_dma source(%dma_start3A_125 : memref<2816x512xi32, #tpu.memory_space<hbm>>) target(%dma_start3A_120 : memref<16x512xi32, #tpu.memory_space<vmem>>) offsets(%dma_start3A_122 : memref<16xi32, #tpu.memory_space<vmem>>) semaphore(%arg16 : memref<!tpu.dma_semaphore, #tpu.memory_space<semaphore_mem>>)
    %dma_start3A_126 = arith.constant 5 : i32
    %dma_start3A_127 = arith.constant 0 : i32
    %dma_start3A_128 = arith.constant 0 : i32
    %dma_start3A_129 = tpu.memref_slice %arg11[%dma_start3A_126, %dma_start3A_127, %dma_start3A_128] : memref<8x16x512xi32, #tpu.memory_space<vmem>> -> memref<1x16x512xi32, #tpu.memory_space<vmem>>
    %dma_start3A_130 = tpu.memref_squeeze %dma_start3A_129 : memref<1x16x512xi32, #tpu.memory_space<vmem>> -> memref<16x512xi32, #tpu.memory_space<vmem>>
    %dma_start3A_131 = arith.constant 80 : i32
    %dma_start3A_132 = tpu.memref_slice %arg10[%dma_start3A_131] : memref<128xi32, #tpu.memory_space<vmem>> -> memref<16xi32, #tpu.memory_space<vmem>>
    %dma_start3A_133 = arith.constant 0 : i32
    %dma_start3A_134 = arith.constant 0 : i32
    %dma_start3A_135 = tpu.memref_slice %arg2[%dma_start3A_133, %dma_start3A_134] : memref<2816x512xi32, #tpu.memory_space<hbm>> -> memref<2816x512xi32, #tpu.memory_space<hbm>>
    tpu.enqueue_indirect_dma source(%dma_start3A_135 : memref<2816x512xi32, #tpu.memory_space<hbm>>) target(%dma_start3A_130 : memref<16x512xi32, #tpu.memory_space<vmem>>) offsets(%dma_start3A_132 : memref<16xi32, #tpu.memory_space<vmem>>) semaphore(%arg17 : memref<!tpu.dma_semaphore, #tpu.memory_space<semaphore_mem>>)
    %dma_start3A_136 = arith.constant 6 : i32
    %dma_start3A_137 = arith.constant 0 : i32
    %dma_start3A_138 = arith.constant 0 : i32
    %dma_start3A_139 = tpu.memref_slice %arg11[%dma_start3A_136, %dma_start3A_137, %dma_start3A_138] : memref<8x16x512xi32, #tpu.memory_space<vmem>> -> memref<1x16x512xi32, #tpu.memory_space<vmem>>
    %dma_start3A_140 = tpu.memref_squeeze %dma_start3A_139 : memref<1x16x512xi32, #tpu.memory_space<vmem>> -> memref<16x512xi32, #tpu.memory_space<vmem>>
    %dma_start3A_141 = arith.constant 96 : i32
    %dma_start3A_142 = tpu.memref_slice %arg10[%dma_start3A_141] : memref<128xi32, #tpu.memory_space<vmem>> -> memref<16xi32, #tpu.memory_space<vmem>>
    %dma_start3A_143 = arith.constant 0 : i32
    %dma_start3A_144 = arith.constant 0 : i32
    %dma_start3A_145 = tpu.memref_slice %arg2[%dma_start3A_143, %dma_start3A_144] : memref<2816x512xi32, #tpu.memory_space<hbm>> -> memref<2816x512xi32, #tpu.memory_space<hbm>>
    tpu.enqueue_indirect_dma source(%dma_start3A_145 : memref<2816x512xi32, #tpu.memory_space<hbm>>) target(%dma_start3A_140 : memref<16x512xi32, #tpu.memory_space<vmem>>) offsets(%dma_start3A_142 : memref<16xi32, #tpu.memory_space<vmem>>) semaphore(%arg18 : memref<!tpu.dma_semaphore, #tpu.memory_space<semaphore_mem>>)
    %dma_start3A_146 = arith.constant 7 : i32
    %dma_start3A_147 = arith.constant 0 : i32
    %dma_start3A_148 = arith.constant 0 : i32
    %dma_start3A_149 = tpu.memref_slice %arg11[%dma_start3A_146, %dma_start3A_147, %dma_start3A_148] : memref<8x16x512xi32, #tpu.memory_space<vmem>> -> memref<1x16x512xi32, #tpu.memory_space<vmem>>
    %dma_start3A_150 = tpu.memref_squeeze %dma_start3A_149 : memref<1x16x512xi32, #tpu.memory_space<vmem>> -> memref<16x512xi32, #tpu.memory_space<vmem>>
    %dma_start3A_151 = arith.constant 112 : i32
    %dma_start3A_152 = tpu.memref_slice %arg10[%dma_start3A_151] : memref<128xi32, #tpu.memory_space<vmem>> -> memref<16xi32, #tpu.memory_space<vmem>>
    %dma_start3A_153 = arith.constant 0 : i32
    %dma_start3A_154 = arith.constant 0 : i32
    %dma_start3A_155 = tpu.memref_slice %arg2[%dma_start3A_153, %dma_start3A_154] : memref<2816x512xi32, #tpu.memory_space<hbm>> -> memref<2816x512xi32, #tpu.memory_space<hbm>>
    tpu.enqueue_indirect_dma source(%dma_start3A_155 : memref<2816x512xi32, #tpu.memory_space<hbm>>) target(%dma_start3A_150 : memref<16x512xi32, #tpu.memory_space<vmem>>) offsets(%dma_start3A_152 : memref<16xi32, #tpu.memory_space<vmem>>) semaphore(%arg19 : memref<!tpu.dma_semaphore, #tpu.memory_space<semaphore_mem>>)
    %dma_wait3A_156 = arith.constant 0 : i32
    "tpu.trace_stop"() : () -> ()
    "tpu.trace_start"() <{level = 10 : i32, message = "gwait0"}> : () -> ()
    %dma_wait3A_157 = arith.constant 0 : i32
    %dma_wait3A_158 = arith.constant 0 : i32
    %dma_wait3A_159 = tpu.memref_slice %arg11[%dma_wait3A_156, %dma_wait3A_157, %dma_wait3A_158] : memref<8x16x512xi32, #tpu.memory_space<vmem>> -> memref<1x16x512xi32, #tpu.memory_space<vmem>>
    %dma_wait3A_160 = tpu.memref_squeeze %dma_wait3A_159 : memref<1x16x512xi32, #tpu.memory_space<vmem>> -> memref<16x512xi32, #tpu.memory_space<vmem>>
    %dma_wait3A_161 = arith.constant 0 : i32
    %dma_wait3A_162 = tpu.memref_slice %arg10[%dma_wait3A_161] : memref<128xi32, #tpu.memory_space<vmem>> -> memref<16xi32, #tpu.memory_space<vmem>>
    %dma_wait3A_163 = arith.constant 0 : i32
    %dma_wait3A_164 = arith.constant 0 : i32
    %dma_wait3A_165 = tpu.memref_slice %arg2[%dma_wait3A_163, %dma_wait3A_164] : memref<2816x512xi32, #tpu.memory_space<hbm>> -> memref<2816x512xi32, #tpu.memory_space<hbm>>
    tpu.wait_indirect_dma semaphore(%arg12 : memref<!tpu.dma_semaphore, #tpu.memory_space<semaphore_mem>>) src(%dma_wait3A_165 : memref<2816x512xi32, #tpu.memory_space<hbm>>) dst(%dma_wait3A_160 : memref<16x512xi32, #tpu.memory_space<vmem>>)
    "tpu.trace_stop"() : () -> ()
    "tpu.trace_start"() <{level = 10 : i32, message = "wstart0"}> : () -> ()
    %add3A_166 = arith.constant 0 : i32
    %add3A_167 = arith.addi %mul3A_2, %add3A_166 : i32
    %dma_start3A_168 = arith.constant 0 : i32
    %dma_start3A_169 = arith.constant 0 : i32
    %dma_start3A_170 = arith.constant 0 : i32
    %dma_start3A_171 = tpu.memref_slice %arg11[%dma_start3A_168, %dma_start3A_169, %dma_start3A_170] : memref<8x16x512xi32, #tpu.memory_space<vmem>> -> memref<1x16x512xi32, #tpu.memory_space<vmem>>
    %dma_start3A_172 = tpu.memref_squeeze %dma_start3A_171 : memref<1x16x512xi32, #tpu.memory_space<vmem>> -> memref<16x512xi32, #tpu.memory_space<vmem>>
    %dma_start3A_173 = arith.constant 0 : i32
    %dma_start3A_174 = tpu.memref_slice %arg6[%add3A_167, %dma_start3A_173] : memref<4096x512xi32, #tpu.memory_space<hbm>> -> memref<16x512xi32, #tpu.memory_space<hbm>>
    %dma_start3A_175 = arith.constant 0 : i32
    %dma_start3A_176 = tpu.memref_slice %arg6[%add3A_167, %dma_start3A_175] : memref<4096x512xi32, #tpu.memory_space<hbm>> -> memref<16x512xi32, #tpu.memory_space<hbm>>
    %dma_start3A_177 = arith.constant 0 : i32
    %dma_start3A_178 = arith.constant 0 : i32
    %dma_start3A_179 = tpu.memref_slice %arg11[%dma_start3A_168, %dma_start3A_177, %dma_start3A_178] : memref<8x16x512xi32, #tpu.memory_space<vmem>> -> memref<1x16x512xi32, #tpu.memory_space<vmem>>
    %dma_start3A_180 = tpu.memref_squeeze %dma_start3A_179 : memref<1x16x512xi32, #tpu.memory_space<vmem>> -> memref<16x512xi32, #tpu.memory_space<vmem>>
    tpu.enqueue_dma source(%dma_start3A_180 : memref<16x512xi32, #tpu.memory_space<vmem>>) target(%dma_start3A_176 : memref<16x512xi32, #tpu.memory_space<hbm>>) target_semaphore(%arg20 : memref<!tpu.dma_semaphore, #tpu.memory_space<semaphore_mem>>)
    %dma_wait3A_181 = arith.constant 1 : i32
    "tpu.trace_stop"() : () -> ()
    "tpu.trace_start"() <{level = 10 : i32, message = "gwait1"}> : () -> ()
    %dma_wait3A_182 = arith.constant 0 : i32
    %dma_wait3A_183 = arith.constant 0 : i32
    %dma_wait3A_184 = tpu.memref_slice %arg11[%dma_wait3A_181, %dma_wait3A_182, %dma_wait3A_183] : memref<8x16x512xi32, #tpu.memory_space<vmem>> -> memref<1x16x512xi32, #tpu.memory_space<vmem>>
    %dma_wait3A_185 = tpu.memref_squeeze %dma_wait3A_184 : memref<1x16x512xi32, #tpu.memory_space<vmem>> -> memref<16x512xi32, #tpu.memory_space<vmem>>
    %dma_wait3A_186 = arith.constant 16 : i32
    %dma_wait3A_187 = tpu.memref_slice %arg10[%dma_wait3A_186] : memref<128xi32, #tpu.memory_space<vmem>> -> memref<16xi32, #tpu.memory_space<vmem>>
    %dma_wait3A_188 = arith.constant 0 : i32
    %dma_wait3A_189 = arith.constant 0 : i32
    %dma_wait3A_190 = tpu.memref_slice %arg2[%dma_wait3A_188, %dma_wait3A_189] : memref<2816x512xi32, #tpu.memory_space<hbm>> -> memref<2816x512xi32, #tpu.memory_space<hbm>>
    tpu.wait_indirect_dma semaphore(%arg13 : memref<!tpu.dma_semaphore, #tpu.memory_space<semaphore_mem>>) src(%dma_wait3A_190 : memref<2816x512xi32, #tpu.memory_space<hbm>>) dst(%dma_wait3A_185 : memref<16x512xi32, #tpu.memory_space<vmem>>)
    "tpu.trace_stop"() : () -> ()
    "tpu.trace_start"() <{level = 10 : i32, message = "wstart1"}> : () -> ()
    %add3A_191 = arith.constant 16 : i32
    %add3A_192 = arith.addi %mul3A_2, %add3A_191 : i32
    %dma_start3A_193 = arith.constant 1 : i32
    %dma_start3A_194 = arith.constant 0 : i32
    %dma_start3A_195 = arith.constant 0 : i32
    %dma_start3A_196 = tpu.memref_slice %arg11[%dma_start3A_193, %dma_start3A_194, %dma_start3A_195] : memref<8x16x512xi32, #tpu.memory_space<vmem>> -> memref<1x16x512xi32, #tpu.memory_space<vmem>>
    %dma_start3A_197 = tpu.memref_squeeze %dma_start3A_196 : memref<1x16x512xi32, #tpu.memory_space<vmem>> -> memref<16x512xi32, #tpu.memory_space<vmem>>
    %dma_start3A_198 = arith.constant 0 : i32
    %dma_start3A_199 = tpu.memref_slice %arg6[%add3A_192, %dma_start3A_198] : memref<4096x512xi32, #tpu.memory_space<hbm>> -> memref<16x512xi32, #tpu.memory_space<hbm>>
    %dma_start3A_200 = arith.constant 0 : i32
    %dma_start3A_201 = tpu.memref_slice %arg6[%add3A_192, %dma_start3A_200] : memref<4096x512xi32, #tpu.memory_space<hbm>> -> memref<16x512xi32, #tpu.memory_space<hbm>>
    %dma_start3A_202 = arith.constant 0 : i32
    %dma_start3A_203 = arith.constant 0 : i32
    %dma_start3A_204 = tpu.memref_slice %arg11[%dma_start3A_193, %dma_start3A_202, %dma_start3A_203] : memref<8x16x512xi32, #tpu.memory_space<vmem>> -> memref<1x16x512xi32, #tpu.memory_space<vmem>>
    %dma_start3A_205 = tpu.memref_squeeze %dma_start3A_204 : memref<1x16x512xi32, #tpu.memory_space<vmem>> -> memref<16x512xi32, #tpu.memory_space<vmem>>
    tpu.enqueue_dma source(%dma_start3A_205 : memref<16x512xi32, #tpu.memory_space<vmem>>) target(%dma_start3A_201 : memref<16x512xi32, #tpu.memory_space<hbm>>) target_semaphore(%arg20 : memref<!tpu.dma_semaphore, #tpu.memory_space<semaphore_mem>>)
    %dma_wait3A_206 = arith.constant 2 : i32
    "tpu.trace_stop"() : () -> ()
    "tpu.trace_start"() <{level = 10 : i32, message = "gwait2"}> : () -> ()
    %dma_wait3A_207 = arith.constant 0 : i32
    %dma_wait3A_208 = arith.constant 0 : i32
    %dma_wait3A_209 = tpu.memref_slice %arg11[%dma_wait3A_206, %dma_wait3A_207, %dma_wait3A_208] : memref<8x16x512xi32, #tpu.memory_space<vmem>> -> memref<1x16x512xi32, #tpu.memory_space<vmem>>
    %dma_wait3A_210 = tpu.memref_squeeze %dma_wait3A_209 : memref<1x16x512xi32, #tpu.memory_space<vmem>> -> memref<16x512xi32, #tpu.memory_space<vmem>>
    %dma_wait3A_211 = arith.constant 32 : i32
    %dma_wait3A_212 = tpu.memref_slice %arg10[%dma_wait3A_211] : memref<128xi32, #tpu.memory_space<vmem>> -> memref<16xi32, #tpu.memory_space<vmem>>
    %dma_wait3A_213 = arith.constant 0 : i32
    %dma_wait3A_214 = arith.constant 0 : i32
    %dma_wait3A_215 = tpu.memref_slice %arg2[%dma_wait3A_213, %dma_wait3A_214] : memref<2816x512xi32, #tpu.memory_space<hbm>> -> memref<2816x512xi32, #tpu.memory_space<hbm>>
    tpu.wait_indirect_dma semaphore(%arg14 : memref<!tpu.dma_semaphore, #tpu.memory_space<semaphore_mem>>) src(%dma_wait3A_215 : memref<2816x512xi32, #tpu.memory_space<hbm>>) dst(%dma_wait3A_210 : memref<16x512xi32, #tpu.memory_space<vmem>>)
    "tpu.trace_stop"() : () -> ()
    "tpu.trace_start"() <{level = 10 : i32, message = "wstart2"}> : () -> ()
    %add3A_216 = arith.constant 32 : i32
    %add3A_217 = arith.addi %mul3A_2, %add3A_216 : i32
    %dma_start3A_218 = arith.constant 2 : i32
    %dma_start3A_219 = arith.constant 0 : i32
    %dma_start3A_220 = arith.constant 0 : i32
    %dma_start3A_221 = tpu.memref_slice %arg11[%dma_start3A_218, %dma_start3A_219, %dma_start3A_220] : memref<8x16x512xi32, #tpu.memory_space<vmem>> -> memref<1x16x512xi32, #tpu.memory_space<vmem>>
    %dma_start3A_222 = tpu.memref_squeeze %dma_start3A_221 : memref<1x16x512xi32, #tpu.memory_space<vmem>> -> memref<16x512xi32, #tpu.memory_space<vmem>>
    %dma_start3A_223 = arith.constant 0 : i32
    %dma_start3A_224 = tpu.memref_slice %arg6[%add3A_217, %dma_start3A_223] : memref<4096x512xi32, #tpu.memory_space<hbm>> -> memref<16x512xi32, #tpu.memory_space<hbm>>
    %dma_start3A_225 = arith.constant 0 : i32
    %dma_start3A_226 = tpu.memref_slice %arg6[%add3A_217, %dma_start3A_225] : memref<4096x512xi32, #tpu.memory_space<hbm>> -> memref<16x512xi32, #tpu.memory_space<hbm>>
    %dma_start3A_227 = arith.constant 0 : i32
    %dma_start3A_228 = arith.constant 0 : i32
    %dma_start3A_229 = tpu.memref_slice %arg11[%dma_start3A_218, %dma_start3A_227, %dma_start3A_228] : memref<8x16x512xi32, #tpu.memory_space<vmem>> -> memref<1x16x512xi32, #tpu.memory_space<vmem>>
    %dma_start3A_230 = tpu.memref_squeeze %dma_start3A_229 : memref<1x16x512xi32, #tpu.memory_space<vmem>> -> memref<16x512xi32, #tpu.memory_space<vmem>>
    tpu.enqueue_dma source(%dma_start3A_230 : memref<16x512xi32, #tpu.memory_space<vmem>>) target(%dma_start3A_226 : memref<16x512xi32, #tpu.memory_space<hbm>>) target_semaphore(%arg20 : memref<!tpu.dma_semaphore, #tpu.memory_space<semaphore_mem>>)
    %dma_wait3A_231 = arith.constant 3 : i32
    "tpu.trace_stop"() : () -> ()
    "tpu.trace_start"() <{level = 10 : i32, message = "gwait3"}> : () -> ()
    %dma_wait3A_232 = arith.constant 0 : i32
    %dma_wait3A_233 = arith.constant 0 : i32
    %dma_wait3A_234 = tpu.memref_slice %arg11[%dma_wait3A_231, %dma_wait3A_232, %dma_wait3A_233] : memref<8x16x512xi32, #tpu.memory_space<vmem>> -> memref<1x16x512xi32, #tpu.memory_space<vmem>>
    %dma_wait3A_235 = tpu.memref_squeeze %dma_wait3A_234 : memref<1x16x512xi32, #tpu.memory_space<vmem>> -> memref<16x512xi32, #tpu.memory_space<vmem>>
    %dma_wait3A_236 = arith.constant 48 : i32
    %dma_wait3A_237 = tpu.memref_slice %arg10[%dma_wait3A_236] : memref<128xi32, #tpu.memory_space<vmem>> -> memref<16xi32, #tpu.memory_space<vmem>>
    %dma_wait3A_238 = arith.constant 0 : i32
    %dma_wait3A_239 = arith.constant 0 : i32
    %dma_wait3A_240 = tpu.memref_slice %arg2[%dma_wait3A_238, %dma_wait3A_239] : memref<2816x512xi32, #tpu.memory_space<hbm>> -> memref<2816x512xi32, #tpu.memory_space<hbm>>
    tpu.wait_indirect_dma semaphore(%arg15 : memref<!tpu.dma_semaphore, #tpu.memory_space<semaphore_mem>>) src(%dma_wait3A_240 : memref<2816x512xi32, #tpu.memory_space<hbm>>) dst(%dma_wait3A_235 : memref<16x512xi32, #tpu.memory_space<vmem>>)
    "tpu.trace_stop"() : () -> ()
    "tpu.trace_start"() <{level = 10 : i32, message = "wstart3"}> : () -> ()
    %add3A_241 = arith.constant 48 : i32
    %add3A_242 = arith.addi %mul3A_2, %add3A_241 : i32
    %dma_start3A_243 = arith.constant 3 : i32
    %dma_start3A_244 = arith.constant 0 : i32
    %dma_start3A_245 = arith.constant 0 : i32
    %dma_start3A_246 = tpu.memref_slice %arg11[%dma_start3A_243, %dma_start3A_244, %dma_start3A_245] : memref<8x16x512xi32, #tpu.memory_space<vmem>> -> memref<1x16x512xi32, #tpu.memory_space<vmem>>
    %dma_start3A_247 = tpu.memref_squeeze %dma_start3A_246 : memref<1x16x512xi32, #tpu.memory_space<vmem>> -> memref<16x512xi32, #tpu.memory_space<vmem>>
    %dma_start3A_248 = arith.constant 0 : i32
    %dma_start3A_249 = tpu.memref_slice %arg6[%add3A_242, %dma_start3A_248] : memref<4096x512xi32, #tpu.memory_space<hbm>> -> memref<16x512xi32, #tpu.memory_space<hbm>>
    %dma_start3A_250 = arith.constant 0 : i32
    %dma_start3A_251 = tpu.memref_slice %arg6[%add3A_242, %dma_start3A_250] : memref<4096x512xi32, #tpu.memory_space<hbm>> -> memref<16x512xi32, #tpu.memory_space<hbm>>
    %dma_start3A_252 = arith.constant 0 : i32
    %dma_start3A_253 = arith.constant 0 : i32
    %dma_start3A_254 = tpu.memref_slice %arg11[%dma_start3A_243, %dma_start3A_252, %dma_start3A_253] : memref<8x16x512xi32, #tpu.memory_space<vmem>> -> memref<1x16x512xi32, #tpu.memory_space<vmem>>
    %dma_start3A_255 = tpu.memref_squeeze %dma_start3A_254 : memref<1x16x512xi32, #tpu.memory_space<vmem>> -> memref<16x512xi32, #tpu.memory_space<vmem>>
    tpu.enqueue_dma source(%dma_start3A_255 : memref<16x512xi32, #tpu.memory_space<vmem>>) target(%dma_start3A_251 : memref<16x512xi32, #tpu.memory_space<hbm>>) target_semaphore(%arg20 : memref<!tpu.dma_semaphore, #tpu.memory_space<semaphore_mem>>)
    %dma_wait3A_256 = arith.constant 4 : i32
    "tpu.trace_stop"() : () -> ()
    "tpu.trace_start"() <{level = 10 : i32, message = "gwait4"}> : () -> ()
    %dma_wait3A_257 = arith.constant 0 : i32
    %dma_wait3A_258 = arith.constant 0 : i32
    %dma_wait3A_259 = tpu.memref_slice %arg11[%dma_wait3A_256, %dma_wait3A_257, %dma_wait3A_258] : memref<8x16x512xi32, #tpu.memory_space<vmem>> -> memref<1x16x512xi32, #tpu.memory_space<vmem>>
    %dma_wait3A_260 = tpu.memref_squeeze %dma_wait3A_259 : memref<1x16x512xi32, #tpu.memory_space<vmem>> -> memref<16x512xi32, #tpu.memory_space<vmem>>
    %dma_wait3A_261 = arith.constant 64 : i32
    %dma_wait3A_262 = tpu.memref_slice %arg10[%dma_wait3A_261] : memref<128xi32, #tpu.memory_space<vmem>> -> memref<16xi32, #tpu.memory_space<vmem>>
    %dma_wait3A_263 = arith.constant 0 : i32
    %dma_wait3A_264 = arith.constant 0 : i32
    %dma_wait3A_265 = tpu.memref_slice %arg2[%dma_wait3A_263, %dma_wait3A_264] : memref<2816x512xi32, #tpu.memory_space<hbm>> -> memref<2816x512xi32, #tpu.memory_space<hbm>>
    tpu.wait_indirect_dma semaphore(%arg16 : memref<!tpu.dma_semaphore, #tpu.memory_space<semaphore_mem>>) src(%dma_wait3A_265 : memref<2816x512xi32, #tpu.memory_space<hbm>>) dst(%dma_wait3A_260 : memref<16x512xi32, #tpu.memory_space<vmem>>)
    "tpu.trace_stop"() : () -> ()
    "tpu.trace_start"() <{level = 10 : i32, message = "wstart4"}> : () -> ()
    %add3A_266 = arith.constant 64 : i32
    %add3A_267 = arith.addi %mul3A_2, %add3A_266 : i32
    %dma_start3A_268 = arith.constant 4 : i32
    %dma_start3A_269 = arith.constant 0 : i32
    %dma_start3A_270 = arith.constant 0 : i32
    %dma_start3A_271 = tpu.memref_slice %arg11[%dma_start3A_268, %dma_start3A_269, %dma_start3A_270] : memref<8x16x512xi32, #tpu.memory_space<vmem>> -> memref<1x16x512xi32, #tpu.memory_space<vmem>>
    %dma_start3A_272 = tpu.memref_squeeze %dma_start3A_271 : memref<1x16x512xi32, #tpu.memory_space<vmem>> -> memref<16x512xi32, #tpu.memory_space<vmem>>
    %dma_start3A_273 = arith.constant 0 : i32
    %dma_start3A_274 = tpu.memref_slice %arg6[%add3A_267, %dma_start3A_273] : memref<4096x512xi32, #tpu.memory_space<hbm>> -> memref<16x512xi32, #tpu.memory_space<hbm>>
    %dma_start3A_275 = arith.constant 0 : i32
    %dma_start3A_276 = tpu.memref_slice %arg6[%add3A_267, %dma_start3A_275] : memref<4096x512xi32, #tpu.memory_space<hbm>> -> memref<16x512xi32, #tpu.memory_space<hbm>>
    %dma_start3A_277 = arith.constant 0 : i32
    %dma_start3A_278 = arith.constant 0 : i32
    %dma_start3A_279 = tpu.memref_slice %arg11[%dma_start3A_268, %dma_start3A_277, %dma_start3A_278] : memref<8x16x512xi32, #tpu.memory_space<vmem>> -> memref<1x16x512xi32, #tpu.memory_space<vmem>>
    %dma_start3A_280 = tpu.memref_squeeze %dma_start3A_279 : memref<1x16x512xi32, #tpu.memory_space<vmem>> -> memref<16x512xi32, #tpu.memory_space<vmem>>
    tpu.enqueue_dma source(%dma_start3A_280 : memref<16x512xi32, #tpu.memory_space<vmem>>) target(%dma_start3A_276 : memref<16x512xi32, #tpu.memory_space<hbm>>) target_semaphore(%arg20 : memref<!tpu.dma_semaphore, #tpu.memory_space<semaphore_mem>>)
    %dma_wait3A_281 = arith.constant 5 : i32
    "tpu.trace_stop"() : () -> ()
    "tpu.trace_start"() <{level = 10 : i32, message = "gwait5"}> : () -> ()
    %dma_wait3A_282 = arith.constant 0 : i32
    %dma_wait3A_283 = arith.constant 0 : i32
    %dma_wait3A_284 = tpu.memref_slice %arg11[%dma_wait3A_281, %dma_wait3A_282, %dma_wait3A_283] : memref<8x16x512xi32, #tpu.memory_space<vmem>> -> memref<1x16x512xi32, #tpu.memory_space<vmem>>
    %dma_wait3A_285 = tpu.memref_squeeze %dma_wait3A_284 : memref<1x16x512xi32, #tpu.memory_space<vmem>> -> memref<16x512xi32, #tpu.memory_space<vmem>>
    %dma_wait3A_286 = arith.constant 80 : i32
    %dma_wait3A_287 = tpu.memref_slice %arg10[%dma_wait3A_286] : memref<128xi32, #tpu.memory_space<vmem>> -> memref<16xi32, #tpu.memory_space<vmem>>
    %dma_wait3A_288 = arith.constant 0 : i32
    %dma_wait3A_289 = arith.constant 0 : i32
    %dma_wait3A_290 = tpu.memref_slice %arg2[%dma_wait3A_288, %dma_wait3A_289] : memref<2816x512xi32, #tpu.memory_space<hbm>> -> memref<2816x512xi32, #tpu.memory_space<hbm>>
    tpu.wait_indirect_dma semaphore(%arg17 : memref<!tpu.dma_semaphore, #tpu.memory_space<semaphore_mem>>) src(%dma_wait3A_290 : memref<2816x512xi32, #tpu.memory_space<hbm>>) dst(%dma_wait3A_285 : memref<16x512xi32, #tpu.memory_space<vmem>>)
    "tpu.trace_stop"() : () -> ()
    "tpu.trace_start"() <{level = 10 : i32, message = "wstart5"}> : () -> ()
    %add3A_291 = arith.constant 80 : i32
    %add3A_292 = arith.addi %mul3A_2, %add3A_291 : i32
    %dma_start3A_293 = arith.constant 5 : i32
    %dma_start3A_294 = arith.constant 0 : i32
    %dma_start3A_295 = arith.constant 0 : i32
    %dma_start3A_296 = tpu.memref_slice %arg11[%dma_start3A_293, %dma_start3A_294, %dma_start3A_295] : memref<8x16x512xi32, #tpu.memory_space<vmem>> -> memref<1x16x512xi32, #tpu.memory_space<vmem>>
    %dma_start3A_297 = tpu.memref_squeeze %dma_start3A_296 : memref<1x16x512xi32, #tpu.memory_space<vmem>> -> memref<16x512xi32, #tpu.memory_space<vmem>>
    %dma_start3A_298 = arith.constant 0 : i32
    %dma_start3A_299 = tpu.memref_slice %arg6[%add3A_292, %dma_start3A_298] : memref<4096x512xi32, #tpu.memory_space<hbm>> -> memref<16x512xi32, #tpu.memory_space<hbm>>
    %dma_start3A_300 = arith.constant 0 : i32
    %dma_start3A_301 = tpu.memref_slice %arg6[%add3A_292, %dma_start3A_300] : memref<4096x512xi32, #tpu.memory_space<hbm>> -> memref<16x512xi32, #tpu.memory_space<hbm>>
    %dma_start3A_302 = arith.constant 0 : i32
    %dma_start3A_303 = arith.constant 0 : i32
    %dma_start3A_304 = tpu.memref_slice %arg11[%dma_start3A_293, %dma_start3A_302, %dma_start3A_303] : memref<8x16x512xi32, #tpu.memory_space<vmem>> -> memref<1x16x512xi32, #tpu.memory_space<vmem>>
    %dma_start3A_305 = tpu.memref_squeeze %dma_start3A_304 : memref<1x16x512xi32, #tpu.memory_space<vmem>> -> memref<16x512xi32, #tpu.memory_space<vmem>>
    tpu.enqueue_dma source(%dma_start3A_305 : memref<16x512xi32, #tpu.memory_space<vmem>>) target(%dma_start3A_301 : memref<16x512xi32, #tpu.memory_space<hbm>>) target_semaphore(%arg20 : memref<!tpu.dma_semaphore, #tpu.memory_space<semaphore_mem>>)
    %dma_wait3A_306 = arith.constant 6 : i32
    "tpu.trace_stop"() : () -> ()
    "tpu.trace_start"() <{level = 10 : i32, message = "gwait6"}> : () -> ()
    %dma_wait3A_307 = arith.constant 0 : i32
    %dma_wait3A_308 = arith.constant 0 : i32
    %dma_wait3A_309 = tpu.memref_slice %arg11[%dma_wait3A_306, %dma_wait3A_307, %dma_wait3A_308] : memref<8x16x512xi32, #tpu.memory_space<vmem>> -> memref<1x16x512xi32, #tpu.memory_space<vmem>>
    %dma_wait3A_310 = tpu.memref_squeeze %dma_wait3A_309 : memref<1x16x512xi32, #tpu.memory_space<vmem>> -> memref<16x512xi32, #tpu.memory_space<vmem>>
    %dma_wait3A_311 = arith.constant 96 : i32
    %dma_wait3A_312 = tpu.memref_slice %arg10[%dma_wait3A_311] : memref<128xi32, #tpu.memory_space<vmem>> -> memref<16xi32, #tpu.memory_space<vmem>>
    %dma_wait3A_313 = arith.constant 0 : i32
    %dma_wait3A_314 = arith.constant 0 : i32
    %dma_wait3A_315 = tpu.memref_slice %arg2[%dma_wait3A_313, %dma_wait3A_314] : memref<2816x512xi32, #tpu.memory_space<hbm>> -> memref<2816x512xi32, #tpu.memory_space<hbm>>
    tpu.wait_indirect_dma semaphore(%arg18 : memref<!tpu.dma_semaphore, #tpu.memory_space<semaphore_mem>>) src(%dma_wait3A_315 : memref<2816x512xi32, #tpu.memory_space<hbm>>) dst(%dma_wait3A_310 : memref<16x512xi32, #tpu.memory_space<vmem>>)
    "tpu.trace_stop"() : () -> ()
    "tpu.trace_start"() <{level = 10 : i32, message = "wstart6"}> : () -> ()
    %add3A_316 = arith.constant 96 : i32
    %add3A_317 = arith.addi %mul3A_2, %add3A_316 : i32
    %dma_start3A_318 = arith.constant 6 : i32
    %dma_start3A_319 = arith.constant 0 : i32
    %dma_start3A_320 = arith.constant 0 : i32
    %dma_start3A_321 = tpu.memref_slice %arg11[%dma_start3A_318, %dma_start3A_319, %dma_start3A_320] : memref<8x16x512xi32, #tpu.memory_space<vmem>> -> memref<1x16x512xi32, #tpu.memory_space<vmem>>
    %dma_start3A_322 = tpu.memref_squeeze %dma_start3A_321 : memref<1x16x512xi32, #tpu.memory_space<vmem>> -> memref<16x512xi32, #tpu.memory_space<vmem>>
    %dma_start3A_323 = arith.constant 0 : i32
    %dma_start3A_324 = tpu.memref_slice %arg6[%add3A_317, %dma_start3A_323] : memref<4096x512xi32, #tpu.memory_space<hbm>> -> memref<16x512xi32, #tpu.memory_space<hbm>>
    %dma_start3A_325 = arith.constant 0 : i32
    %dma_start3A_326 = tpu.memref_slice %arg6[%add3A_317, %dma_start3A_325] : memref<4096x512xi32, #tpu.memory_space<hbm>> -> memref<16x512xi32, #tpu.memory_space<hbm>>
    %dma_start3A_327 = arith.constant 0 : i32
    %dma_start3A_328 = arith.constant 0 : i32
    %dma_start3A_329 = tpu.memref_slice %arg11[%dma_start3A_318, %dma_start3A_327, %dma_start3A_328] : memref<8x16x512xi32, #tpu.memory_space<vmem>> -> memref<1x16x512xi32, #tpu.memory_space<vmem>>
    %dma_start3A_330 = tpu.memref_squeeze %dma_start3A_329 : memref<1x16x512xi32, #tpu.memory_space<vmem>> -> memref<16x512xi32, #tpu.memory_space<vmem>>
    tpu.enqueue_dma source(%dma_start3A_330 : memref<16x512xi32, #tpu.memory_space<vmem>>) target(%dma_start3A_326 : memref<16x512xi32, #tpu.memory_space<hbm>>) target_semaphore(%arg20 : memref<!tpu.dma_semaphore, #tpu.memory_space<semaphore_mem>>)
    %dma_wait3A_331 = arith.constant 7 : i32
    "tpu.trace_stop"() : () -> ()
    "tpu.trace_start"() <{level = 10 : i32, message = "gwait7"}> : () -> ()
    %dma_wait3A_332 = arith.constant 0 : i32
    %dma_wait3A_333 = arith.constant 0 : i32
    %dma_wait3A_334 = tpu.memref_slice %arg11[%dma_wait3A_331, %dma_wait3A_332, %dma_wait3A_333] : memref<8x16x512xi32, #tpu.memory_space<vmem>> -> memref<1x16x512xi32, #tpu.memory_space<vmem>>
    %dma_wait3A_335 = tpu.memref_squeeze %dma_wait3A_334 : memref<1x16x512xi32, #tpu.memory_space<vmem>> -> memref<16x512xi32, #tpu.memory_space<vmem>>
    %dma_wait3A_336 = arith.constant 112 : i32
    %dma_wait3A_337 = tpu.memref_slice %arg10[%dma_wait3A_336] : memref<128xi32, #tpu.memory_space<vmem>> -> memref<16xi32, #tpu.memory_space<vmem>>
    %dma_wait3A_338 = arith.constant 0 : i32
    %dma_wait3A_339 = arith.constant 0 : i32
    %dma_wait3A_340 = tpu.memref_slice %arg2[%dma_wait3A_338, %dma_wait3A_339] : memref<2816x512xi32, #tpu.memory_space<hbm>> -> memref<2816x512xi32, #tpu.memory_space<hbm>>
    tpu.wait_indirect_dma semaphore(%arg19 : memref<!tpu.dma_semaphore, #tpu.memory_space<semaphore_mem>>) src(%dma_wait3A_340 : memref<2816x512xi32, #tpu.memory_space<hbm>>) dst(%dma_wait3A_335 : memref<16x512xi32, #tpu.memory_space<vmem>>)
    "tpu.trace_stop"() : () -> ()
    "tpu.trace_start"() <{level = 10 : i32, message = "wstart7"}> : () -> ()
    %add3A_341 = arith.constant 112 : i32
    %add3A_342 = arith.addi %mul3A_2, %add3A_341 : i32
    %dma_start3A_343 = arith.constant 7 : i32
    %dma_start3A_344 = arith.constant 0 : i32
    %dma_start3A_345 = arith.constant 0 : i32
    %dma_start3A_346 = tpu.memref_slice %arg11[%dma_start3A_343, %dma_start3A_344, %dma_start3A_345] : memref<8x16x512xi32, #tpu.memory_space<vmem>> -> memref<1x16x512xi32, #tpu.memory_space<vmem>>
    %dma_start3A_347 = tpu.memref_squeeze %dma_start3A_346 : memref<1x16x512xi32, #tpu.memory_space<vmem>> -> memref<16x512xi32, #tpu.memory_space<vmem>>
    %dma_start3A_348 = arith.constant 0 : i32
    %dma_start3A_349 = tpu.memref_slice %arg6[%add3A_342, %dma_start3A_348] : memref<4096x512xi32, #tpu.memory_space<hbm>> -> memref<16x512xi32, #tpu.memory_space<hbm>>
    %dma_start3A_350 = arith.constant 0 : i32
    %dma_start3A_351 = tpu.memref_slice %arg6[%add3A_342, %dma_start3A_350] : memref<4096x512xi32, #tpu.memory_space<hbm>> -> memref<16x512xi32, #tpu.memory_space<hbm>>
    %dma_start3A_352 = arith.constant 0 : i32
    %dma_start3A_353 = arith.constant 0 : i32
    %dma_start3A_354 = tpu.memref_slice %arg11[%dma_start3A_343, %dma_start3A_352, %dma_start3A_353] : memref<8x16x512xi32, #tpu.memory_space<vmem>> -> memref<1x16x512xi32, #tpu.memory_space<vmem>>
    %dma_start3A_355 = tpu.memref_squeeze %dma_start3A_354 : memref<1x16x512xi32, #tpu.memory_space<vmem>> -> memref<16x512xi32, #tpu.memory_space<vmem>>
    tpu.enqueue_dma source(%dma_start3A_355 : memref<16x512xi32, #tpu.memory_space<vmem>>) target(%dma_start3A_351 : memref<16x512xi32, #tpu.memory_space<hbm>>) target_semaphore(%arg20 : memref<!tpu.dma_semaphore, #tpu.memory_space<semaphore_mem>>)
    %dma_wait3A_356 = arith.constant 0 : i32
    "tpu.trace_stop"() : () -> ()
    "tpu.trace_start"() <{level = 10 : i32, message = "wwait"}> : () -> ()
    %dma_wait3A_357 = arith.constant 0 : i32
    %dma_wait3A_358 = arith.constant 0 : i32
    %dma_wait3A_359 = tpu.memref_slice %arg11[%dma_wait3A_356, %dma_wait3A_357, %dma_wait3A_358] : memref<8x16x512xi32, #tpu.memory_space<vmem>> -> memref<1x16x512xi32, #tpu.memory_space<vmem>>
    %dma_wait3A_360 = tpu.memref_squeeze %dma_wait3A_359 : memref<1x16x512xi32, #tpu.memory_space<vmem>> -> memref<16x512xi32, #tpu.memory_space<vmem>>
    %dma_wait3A_361 = arith.constant 0 : i32
    %dma_wait3A_362 = tpu.memref_slice %arg6[%add3A_167, %dma_wait3A_361] : memref<4096x512xi32, #tpu.memory_space<hbm>> -> memref<16x512xi32, #tpu.memory_space<hbm>>
    %dma_wait3A_363 = arith.constant 0 : i32
    %dma_wait3A_364 = tpu.memref_slice %arg6[%add3A_167, %dma_wait3A_363] : memref<4096x512xi32, #tpu.memory_space<hbm>> -> memref<16x512xi32, #tpu.memory_space<hbm>>
    %dma_wait3A_365 = arith.constant 0 : i32
    %dma_wait3A_366 = arith.constant 0 : i32
    %dma_wait3A_367 = tpu.memref_slice %arg11[%dma_wait3A_356, %dma_wait3A_365, %dma_wait3A_366] : memref<8x16x512xi32, #tpu.memory_space<vmem>> -> memref<1x16x512xi32, #tpu.memory_space<vmem>>
    %dma_wait3A_368 = tpu.memref_squeeze %dma_wait3A_367 : memref<1x16x512xi32, #tpu.memory_space<vmem>> -> memref<16x512xi32, #tpu.memory_space<vmem>>
    tpu.wait_dma2 semaphore(%arg20 : memref<!tpu.dma_semaphore, #tpu.memory_space<semaphore_mem>>) src(%dma_wait3A_368 : memref<16x512xi32, #tpu.memory_space<vmem>>) dst(%dma_wait3A_364 : memref<16x512xi32, #tpu.memory_space<hbm>>)
    %dma_wait3A_369 = arith.constant 1 : i32
    %dma_wait3A_370 = arith.constant 0 : i32
    %dma_wait3A_371 = arith.constant 0 : i32
    %dma_wait3A_372 = tpu.memref_slice %arg11[%dma_wait3A_369, %dma_wait3A_370, %dma_wait3A_371] : memref<8x16x512xi32, #tpu.memory_space<vmem>> -> memref<1x16x512xi32, #tpu.memory_space<vmem>>
    %dma_wait3A_373 = tpu.memref_squeeze %dma_wait3A_372 : memref<1x16x512xi32, #tpu.memory_space<vmem>> -> memref<16x512xi32, #tpu.memory_space<vmem>>
    %dma_wait3A_374 = arith.constant 0 : i32
    %dma_wait3A_375 = tpu.memref_slice %arg6[%add3A_192, %dma_wait3A_374] : memref<4096x512xi32, #tpu.memory_space<hbm>> -> memref<16x512xi32, #tpu.memory_space<hbm>>
    %dma_wait3A_376 = arith.constant 0 : i32
    %dma_wait3A_377 = tpu.memref_slice %arg6[%add3A_192, %dma_wait3A_376] : memref<4096x512xi32, #tpu.memory_space<hbm>> -> memref<16x512xi32, #tpu.memory_space<hbm>>
    %dma_wait3A_378 = arith.constant 0 : i32
    %dma_wait3A_379 = arith.constant 0 : i32
    %dma_wait3A_380 = tpu.memref_slice %arg11[%dma_wait3A_369, %dma_wait3A_378, %dma_wait3A_379] : memref<8x16x512xi32, #tpu.memory_space<vmem>> -> memref<1x16x512xi32, #tpu.memory_space<vmem>>
    %dma_wait3A_381 = tpu.memref_squeeze %dma_wait3A_380 : memref<1x16x512xi32, #tpu.memory_space<vmem>> -> memref<16x512xi32, #tpu.memory_space<vmem>>
    tpu.wait_dma2 semaphore(%arg20 : memref<!tpu.dma_semaphore, #tpu.memory_space<semaphore_mem>>) src(%dma_wait3A_381 : memref<16x512xi32, #tpu.memory_space<vmem>>) dst(%dma_wait3A_377 : memref<16x512xi32, #tpu.memory_space<hbm>>)
    %dma_wait3A_382 = arith.constant 2 : i32
    %dma_wait3A_383 = arith.constant 0 : i32
    %dma_wait3A_384 = arith.constant 0 : i32
    %dma_wait3A_385 = tpu.memref_slice %arg11[%dma_wait3A_382, %dma_wait3A_383, %dma_wait3A_384] : memref<8x16x512xi32, #tpu.memory_space<vmem>> -> memref<1x16x512xi32, #tpu.memory_space<vmem>>
    %dma_wait3A_386 = tpu.memref_squeeze %dma_wait3A_385 : memref<1x16x512xi32, #tpu.memory_space<vmem>> -> memref<16x512xi32, #tpu.memory_space<vmem>>
    %dma_wait3A_387 = arith.constant 0 : i32
    %dma_wait3A_388 = tpu.memref_slice %arg6[%add3A_217, %dma_wait3A_387] : memref<4096x512xi32, #tpu.memory_space<hbm>> -> memref<16x512xi32, #tpu.memory_space<hbm>>
    %dma_wait3A_389 = arith.constant 0 : i32
    %dma_wait3A_390 = tpu.memref_slice %arg6[%add3A_217, %dma_wait3A_389] : memref<4096x512xi32, #tpu.memory_space<hbm>> -> memref<16x512xi32, #tpu.memory_space<hbm>>
    %dma_wait3A_391 = arith.constant 0 : i32
    %dma_wait3A_392 = arith.constant 0 : i32
    %dma_wait3A_393 = tpu.memref_slice %arg11[%dma_wait3A_382, %dma_wait3A_391, %dma_wait3A_392] : memref<8x16x512xi32, #tpu.memory_space<vmem>> -> memref<1x16x512xi32, #tpu.memory_space<vmem>>
    %dma_wait3A_394 = tpu.memref_squeeze %dma_wait3A_393 : memref<1x16x512xi32, #tpu.memory_space<vmem>> -> memref<16x512xi32, #tpu.memory_space<vmem>>
    tpu.wait_dma2 semaphore(%arg20 : memref<!tpu.dma_semaphore, #tpu.memory_space<semaphore_mem>>) src(%dma_wait3A_394 : memref<16x512xi32, #tpu.memory_space<vmem>>) dst(%dma_wait3A_390 : memref<16x512xi32, #tpu.memory_space<hbm>>)
    %dma_wait3A_395 = arith.constant 3 : i32
    %dma_wait3A_396 = arith.constant 0 : i32
    %dma_wait3A_397 = arith.constant 0 : i32
    %dma_wait3A_398 = tpu.memref_slice %arg11[%dma_wait3A_395, %dma_wait3A_396, %dma_wait3A_397] : memref<8x16x512xi32, #tpu.memory_space<vmem>> -> memref<1x16x512xi32, #tpu.memory_space<vmem>>
    %dma_wait3A_399 = tpu.memref_squeeze %dma_wait3A_398 : memref<1x16x512xi32, #tpu.memory_space<vmem>> -> memref<16x512xi32, #tpu.memory_space<vmem>>
    %dma_wait3A_400 = arith.constant 0 : i32
    %dma_wait3A_401 = tpu.memref_slice %arg6[%add3A_242, %dma_wait3A_400] : memref<4096x512xi32, #tpu.memory_space<hbm>> -> memref<16x512xi32, #tpu.memory_space<hbm>>
    %dma_wait3A_402 = arith.constant 0 : i32
    %dma_wait3A_403 = tpu.memref_slice %arg6[%add3A_242, %dma_wait3A_402] : memref<4096x512xi32, #tpu.memory_space<hbm>> -> memref<16x512xi32, #tpu.memory_space<hbm>>
    %dma_wait3A_404 = arith.constant 0 : i32
    %dma_wait3A_405 = arith.constant 0 : i32
    %dma_wait3A_406 = tpu.memref_slice %arg11[%dma_wait3A_395, %dma_wait3A_404, %dma_wait3A_405] : memref<8x16x512xi32, #tpu.memory_space<vmem>> -> memref<1x16x512xi32, #tpu.memory_space<vmem>>
    %dma_wait3A_407 = tpu.memref_squeeze %dma_wait3A_406 : memref<1x16x512xi32, #tpu.memory_space<vmem>> -> memref<16x512xi32, #tpu.memory_space<vmem>>
    tpu.wait_dma2 semaphore(%arg20 : memref<!tpu.dma_semaphore, #tpu.memory_space<semaphore_mem>>) src(%dma_wait3A_407 : memref<16x512xi32, #tpu.memory_space<vmem>>) dst(%dma_wait3A_403 : memref<16x512xi32, #tpu.memory_space<hbm>>)
    %dma_wait3A_408 = arith.constant 4 : i32
    %dma_wait3A_409 = arith.constant 0 : i32
    %dma_wait3A_410 = arith.constant 0 : i32
    %dma_wait3A_411 = tpu.memref_slice %arg11[%dma_wait3A_408, %dma_wait3A_409, %dma_wait3A_410] : memref<8x16x512xi32, #tpu.memory_space<vmem>> -> memref<1x16x512xi32, #tpu.memory_space<vmem>>
    %dma_wait3A_412 = tpu.memref_squeeze %dma_wait3A_411 : memref<1x16x512xi32, #tpu.memory_space<vmem>> -> memref<16x512xi32, #tpu.memory_space<vmem>>
    %dma_wait3A_413 = arith.constant 0 : i32
    %dma_wait3A_414 = tpu.memref_slice %arg6[%add3A_267, %dma_wait3A_413] : memref<4096x512xi32, #tpu.memory_space<hbm>> -> memref<16x512xi32, #tpu.memory_space<hbm>>
    %dma_wait3A_415 = arith.constant 0 : i32
    %dma_wait3A_416 = tpu.memref_slice %arg6[%add3A_267, %dma_wait3A_415] : memref<4096x512xi32, #tpu.memory_space<hbm>> -> memref<16x512xi32, #tpu.memory_space<hbm>>
    %dma_wait3A_417 = arith.constant 0 : i32
    %dma_wait3A_418 = arith.constant 0 : i32
    %dma_wait3A_419 = tpu.memref_slice %arg11[%dma_wait3A_408, %dma_wait3A_417, %dma_wait3A_418] : memref<8x16x512xi32, #tpu.memory_space<vmem>> -> memref<1x16x512xi32, #tpu.memory_space<vmem>>
    %dma_wait3A_420 = tpu.memref_squeeze %dma_wait3A_419 : memref<1x16x512xi32, #tpu.memory_space<vmem>> -> memref<16x512xi32, #tpu.memory_space<vmem>>
    tpu.wait_dma2 semaphore(%arg20 : memref<!tpu.dma_semaphore, #tpu.memory_space<semaphore_mem>>) src(%dma_wait3A_420 : memref<16x512xi32, #tpu.memory_space<vmem>>) dst(%dma_wait3A_416 : memref<16x512xi32, #tpu.memory_space<hbm>>)
    %dma_wait3A_421 = arith.constant 5 : i32
    %dma_wait3A_422 = arith.constant 0 : i32
    %dma_wait3A_423 = arith.constant 0 : i32
    %dma_wait3A_424 = tpu.memref_slice %arg11[%dma_wait3A_421, %dma_wait3A_422, %dma_wait3A_423] : memref<8x16x512xi32, #tpu.memory_space<vmem>> -> memref<1x16x512xi32, #tpu.memory_space<vmem>>
    %dma_wait3A_425 = tpu.memref_squeeze %dma_wait3A_424 : memref<1x16x512xi32, #tpu.memory_space<vmem>> -> memref<16x512xi32, #tpu.memory_space<vmem>>
    %dma_wait3A_426 = arith.constant 0 : i32
    %dma_wait3A_427 = tpu.memref_slice %arg6[%add3A_292, %dma_wait3A_426] : memref<4096x512xi32, #tpu.memory_space<hbm>> -> memref<16x512xi32, #tpu.memory_space<hbm>>
    %dma_wait3A_428 = arith.constant 0 : i32
    %dma_wait3A_429 = tpu.memref_slice %arg6[%add3A_292, %dma_wait3A_428] : memref<4096x512xi32, #tpu.memory_space<hbm>> -> memref<16x512xi32, #tpu.memory_space<hbm>>
    %dma_wait3A_430 = arith.constant 0 : i32
    %dma_wait3A_431 = arith.constant 0 : i32
    %dma_wait3A_432 = tpu.memref_slice %arg11[%dma_wait3A_421, %dma_wait3A_430, %dma_wait3A_431] : memref<8x16x512xi32, #tpu.memory_space<vmem>> -> memref<1x16x512xi32, #tpu.memory_space<vmem>>
    %dma_wait3A_433 = tpu.memref_squeeze %dma_wait3A_432 : memref<1x16x512xi32, #tpu.memory_space<vmem>> -> memref<16x512xi32, #tpu.memory_space<vmem>>
    tpu.wait_dma2 semaphore(%arg20 : memref<!tpu.dma_semaphore, #tpu.memory_space<semaphore_mem>>) src(%dma_wait3A_433 : memref<16x512xi32, #tpu.memory_space<vmem>>) dst(%dma_wait3A_429 : memref<16x512xi32, #tpu.memory_space<hbm>>)
    %dma_wait3A_434 = arith.constant 6 : i32
    %dma_wait3A_435 = arith.constant 0 : i32
    %dma_wait3A_436 = arith.constant 0 : i32
    %dma_wait3A_437 = tpu.memref_slice %arg11[%dma_wait3A_434, %dma_wait3A_435, %dma_wait3A_436] : memref<8x16x512xi32, #tpu.memory_space<vmem>> -> memref<1x16x512xi32, #tpu.memory_space<vmem>>
    %dma_wait3A_438 = tpu.memref_squeeze %dma_wait3A_437 : memref<1x16x512xi32, #tpu.memory_space<vmem>> -> memref<16x512xi32, #tpu.memory_space<vmem>>
    %dma_wait3A_439 = arith.constant 0 : i32
    %dma_wait3A_440 = tpu.memref_slice %arg6[%add3A_317, %dma_wait3A_439] : memref<4096x512xi32, #tpu.memory_space<hbm>> -> memref<16x512xi32, #tpu.memory_space<hbm>>
    %dma_wait3A_441 = arith.constant 0 : i32
    %dma_wait3A_442 = tpu.memref_slice %arg6[%add3A_317, %dma_wait3A_441] : memref<4096x512xi32, #tpu.memory_space<hbm>> -> memref<16x512xi32, #tpu.memory_space<hbm>>
    %dma_wait3A_443 = arith.constant 0 : i32
    %dma_wait3A_444 = arith.constant 0 : i32
    %dma_wait3A_445 = tpu.memref_slice %arg11[%dma_wait3A_434, %dma_wait3A_443, %dma_wait3A_444] : memref<8x16x512xi32, #tpu.memory_space<vmem>> -> memref<1x16x512xi32, #tpu.memory_space<vmem>>
    %dma_wait3A_446 = tpu.memref_squeeze %dma_wait3A_445 : memref<1x16x512xi32, #tpu.memory_space<vmem>> -> memref<16x512xi32, #tpu.memory_space<vmem>>
    tpu.wait_dma2 semaphore(%arg20 : memref<!tpu.dma_semaphore, #tpu.memory_space<semaphore_mem>>) src(%dma_wait3A_446 : memref<16x512xi32, #tpu.memory_space<vmem>>) dst(%dma_wait3A_442 : memref<16x512xi32, #tpu.memory_space<hbm>>)
    %dma_wait3A_447 = arith.constant 7 : i32
    %dma_wait3A_448 = arith.constant 0 : i32
    %dma_wait3A_449 = arith.constant 0 : i32
    %dma_wait3A_450 = tpu.memref_slice %arg11[%dma_wait3A_447, %dma_wait3A_448, %dma_wait3A_449] : memref<8x16x512xi32, #tpu.memory_space<vmem>> -> memref<1x16x512xi32, #tpu.memory_space<vmem>>
    %dma_wait3A_451 = tpu.memref_squeeze %dma_wait3A_450 : memref<1x16x512xi32, #tpu.memory_space<vmem>> -> memref<16x512xi32, #tpu.memory_space<vmem>>
    %dma_wait3A_452 = arith.constant 0 : i32
    %dma_wait3A_453 = tpu.memref_slice %arg6[%add3A_342, %dma_wait3A_452] : memref<4096x512xi32, #tpu.memory_space<hbm>> -> memref<16x512xi32, #tpu.memory_space<hbm>>
    %dma_wait3A_454 = arith.constant 0 : i32
    %dma_wait3A_455 = tpu.memref_slice %arg6[%add3A_342, %dma_wait3A_454] : memref<4096x512xi32, #tpu.memory_space<hbm>> -> memref<16x512xi32, #tpu.memory_space<hbm>>
    %dma_wait3A_456 = arith.constant 0 : i32
    %dma_wait3A_457 = arith.constant 0 : i32
    %dma_wait3A_458 = tpu.memref_slice %arg11[%dma_wait3A_447, %dma_wait3A_456, %dma_wait3A_457] : memref<8x16x512xi32, #tpu.memory_space<vmem>> -> memref<1x16x512xi32, #tpu.memory_space<vmem>>
    %dma_wait3A_459 = tpu.memref_squeeze %dma_wait3A_458 : memref<1x16x512xi32, #tpu.memory_space<vmem>> -> memref<16x512xi32, #tpu.memory_space<vmem>>
    tpu.wait_dma2 semaphore(%arg20 : memref<!tpu.dma_semaphore, #tpu.memory_space<semaphore_mem>>) src(%dma_wait3A_459 : memref<16x512xi32, #tpu.memory_space<vmem>>) dst(%dma_wait3A_455 : memref<16x512xi32, #tpu.memory_space<hbm>>)
    "tpu.trace_stop"() : () -> ()
    return
  }
}

module attributes {stable_mosaic.version = 14 : i64} {
  func.func @_tables_body(%arg0: memref<2048x4xi32, #tpu.memory_space<vmem>>, %arg1: memref<96x16xf32, #tpu.memory_space<vmem>>, %arg2: memref<2816x512xi32, #tpu.memory_space<vmem>>, %arg3: memref<4x2048xi32, #tpu.memory_space<vmem>>) attributes {dimension_semantics = [], scalar_prefetch = 0 : i64, scratch_operands = 0 : i64, tpu.core_type = #tpu.core_type<tc>} {
    %get3A = arith.constant 0 : index
    %get3A_0 = arith.constant 0 : index
    %get3A_1 = vector.load %arg0[%get3A, %get3A_0] : memref<2048x4xi32, #tpu.memory_space<vmem>>, vector<2048x4xi32>
    %convert_element_type3A = arith.sitofp %get3A_1 : vector<2048x4xi32> to vector<2048x4xf32>
    %broadcast_in_dim3A = arith.constant 1.000000e+00 : f32
    %broadcast_in_dim3A_2 = vector.broadcast %broadcast_in_dim3A : f32 to vector<2048x1xf32>
    %broadcast_in_dim3A_3 = arith.constant 0.000000e+00 : f32
    %broadcast_in_dim3A_4 = vector.broadcast %broadcast_in_dim3A_3 : f32 to vector<2048x11xf32>
    %concatenate3A = tpu.concatenate %convert_element_type3A, %broadcast_in_dim3A_2, %broadcast_in_dim3A_4 in 1 : vector<2048x4xf32>, vector<2048x1xf32>, vector<2048x11xf32> -> vector<2048x16xf32>
    %get3A_5 = arith.constant 0 : index
    %get3A_6 = arith.constant 0 : index
    %get3A_7 = vector.load %arg1[%get3A_5, %get3A_6] : memref<96x16xf32, #tpu.memory_space<vmem>>, vector<88x16xf32>
    %broadcast_in_dim3A_8 = arith.constant 0 : i32
    %broadcast_in_dim3A_9 = vector.broadcast %broadcast_in_dim3A_8 : i32 to vector<88x512xi32>
    %slice3A = vector.extract_strided_slice %concatenate3A {offsets = [0, 0], sizes = [512, 16], strides = [1, 1]} : vector<2048x16xf32> to vector<512x16xf32>
    %dot_general3A = arith.constant dense<0.000000e+00> : vector<88x512xf32>
    %dot_general3A_10 = tpu.matmul %get3A_7, %slice3A, %dot_general3A {dimension_numbers = #tpu.dot_dimension_numbers<[1], [1], [0], [0], [0, 0, 1, 0], [], []>, transpose_lhs_hint = false} : vector<88x16xf32>, vector<512x16xf32>, vector<88x512xf32> -> vector<88x512xf32>
    %eq3A = arith.constant 0.000000e+00 : f32
    %eq3A_11 = vector.broadcast %eq3A : f32 to vector<88x512xf32>
    %eq3A_12 = arith.cmpf oeq, %dot_general3A_10, %eq3A_11 : vector<88x512xf32>
    %convert_element_type3A_13 = arith.extui %eq3A_12 : vector<88x512xi1> to vector<88x512xi32>
    %shift_left3A = arith.constant 0 : i32
    %shift_left3A_14 = vector.broadcast %shift_left3A : i32 to vector<88x512xi32>
    %shift_left3A_15 = arith.shli %convert_element_type3A_13, %shift_left3A_14 : vector<88x512xi32>
    %or3A = arith.ori %broadcast_in_dim3A_9, %shift_left3A_15 : vector<88x512xi32>
    %slice3A_16 = vector.extract_strided_slice %concatenate3A {offsets = [512, 0], sizes = [512, 16], strides = [1, 1]} : vector<2048x16xf32> to vector<512x16xf32>
    %dot_general3A_17 = arith.constant dense<0.000000e+00> : vector<88x512xf32>
    %dot_general3A_18 = tpu.matmul %get3A_7, %slice3A_16, %dot_general3A_17 {dimension_numbers = #tpu.dot_dimension_numbers<[1], [1], [0], [0], [0, 0, 1, 0], [], []>, transpose_lhs_hint = false} : vector<88x16xf32>, vector<512x16xf32>, vector<88x512xf32> -> vector<88x512xf32>
    %eq3A_19 = arith.constant 0.000000e+00 : f32
    %eq3A_20 = vector.broadcast %eq3A_19 : f32 to vector<88x512xf32>
    %eq3A_21 = arith.cmpf oeq, %dot_general3A_18, %eq3A_20 : vector<88x512xf32>
    %convert_element_type3A_22 = arith.extui %eq3A_21 : vector<88x512xi1> to vector<88x512xi32>
    %shift_left3A_23 = arith.constant 8 : i32
    %shift_left3A_24 = vector.broadcast %shift_left3A_23 : i32 to vector<88x512xi32>
    %shift_left3A_25 = arith.shli %convert_element_type3A_22, %shift_left3A_24 : vector<88x512xi32>
    %or3A_26 = arith.ori %or3A, %shift_left3A_25 : vector<88x512xi32>
    %slice3A_27 = vector.extract_strided_slice %concatenate3A {offsets = [1024, 0], sizes = [512, 16], strides = [1, 1]} : vector<2048x16xf32> to vector<512x16xf32>
    %dot_general3A_28 = arith.constant dense<0.000000e+00> : vector<88x512xf32>
    %dot_general3A_29 = tpu.matmul %get3A_7, %slice3A_27, %dot_general3A_28 {dimension_numbers = #tpu.dot_dimension_numbers<[1], [1], [0], [0], [0, 0, 1, 0], [], []>, transpose_lhs_hint = false} : vector<88x16xf32>, vector<512x16xf32>, vector<88x512xf32> -> vector<88x512xf32>
    %eq3A_30 = arith.constant 0.000000e+00 : f32
    %eq3A_31 = vector.broadcast %eq3A_30 : f32 to vector<88x512xf32>
    %eq3A_32 = arith.cmpf oeq, %dot_general3A_29, %eq3A_31 : vector<88x512xf32>
    %convert_element_type3A_33 = arith.extui %eq3A_32 : vector<88x512xi1> to vector<88x512xi32>
    %shift_left3A_34 = arith.constant 16 : i32
    %shift_left3A_35 = vector.broadcast %shift_left3A_34 : i32 to vector<88x512xi32>
    %shift_left3A_36 = arith.shli %convert_element_type3A_33, %shift_left3A_35 : vector<88x512xi32>
    %or3A_37 = arith.ori %or3A_26, %shift_left3A_36 : vector<88x512xi32>
    %slice3A_38 = vector.extract_strided_slice %concatenate3A {offsets = [1536, 0], sizes = [512, 16], strides = [1, 1]} : vector<2048x16xf32> to vector<512x16xf32>
    %dot_general3A_39 = arith.constant dense<0.000000e+00> : vector<88x512xf32>
    %dot_general3A_40 = tpu.matmul %get3A_7, %slice3A_38, %dot_general3A_39 {dimension_numbers = #tpu.dot_dimension_numbers<[1], [1], [0], [0], [0, 0, 1, 0], [], []>, transpose_lhs_hint = false} : vector<88x16xf32>, vector<512x16xf32>, vector<88x512xf32> -> vector<88x512xf32>
    %eq3A_41 = arith.constant 0.000000e+00 : f32
    %eq3A_42 = vector.broadcast %eq3A_41 : f32 to vector<88x512xf32>
    %eq3A_43 = arith.cmpf oeq, %dot_general3A_40, %eq3A_42 : vector<88x512xf32>
    %convert_element_type3A_44 = arith.extui %eq3A_43 : vector<88x512xi1> to vector<88x512xi32>
    %shift_left3A_45 = arith.constant 24 : i32
    %shift_left3A_46 = vector.broadcast %shift_left3A_45 : i32 to vector<88x512xi32>
    %shift_left3A_47 = arith.shli %convert_element_type3A_44, %shift_left3A_46 : vector<88x512xi32>
    %or3A_48 = arith.ori %or3A_37, %shift_left3A_47 : vector<88x512xi32>
    %swap3A = arith.constant 0 : index
    %swap3A_49 = arith.constant 0 : index
    %swap3A_50 = vector.load %arg2[%swap3A, %swap3A_49] : memref<2816x512xi32, #tpu.memory_space<vmem>>, vector<88x512xi32>
    tpu.vector_store %arg2[%swap3A, %swap3A_49], %or3A_48 {strides = array<i32>} : memref<2816x512xi32, #tpu.memory_space<vmem>>, vector<88x512xi32>,
    %swap3A_51 = arith.constant 88 : index
    %swap3A_52 = arith.constant 0 : index
    %swap3A_53 = vector.load %arg2[%swap3A_51, %swap3A_52] : memref<2816x512xi32, #tpu.memory_space<vmem>>, vector<88x512xi32>
    tpu.vector_store %arg2[%swap3A_51, %swap3A_52], %or3A_48 {strides = array<i32>} : memref<2816x512xi32, #tpu.memory_space<vmem>>, vector<88x512xi32>,
    %swap3A_54 = arith.constant 176 : index
    %swap3A_55 = arith.constant 0 : index
    %swap3A_56 = vector.load %arg2[%swap3A_54, %swap3A_55] : memref<2816x512xi32, #tpu.memory_space<vmem>>, vector<88x512xi32>
    tpu.vector_store %arg2[%swap3A_54, %swap3A_55], %or3A_48 {strides = array<i32>} : memref<2816x512xi32, #tpu.memory_space<vmem>>, vector<88x512xi32>,
    %swap3A_57 = arith.constant 264 : index
    %swap3A_58 = arith.constant 0 : index
    %swap3A_59 = vector.load %arg2[%swap3A_57, %swap3A_58] : memref<2816x512xi32, #tpu.memory_space<vmem>>, vector<88x512xi32>
    tpu.vector_store %arg2[%swap3A_57, %swap3A_58], %or3A_48 {strides = array<i32>} : memref<2816x512xi32, #tpu.memory_space<vmem>>, vector<88x512xi32>,
    %swap3A_60 = arith.constant 352 : index
    %swap3A_61 = arith.constant 0 : index
    %swap3A_62 = vector.load %arg2[%swap3A_60, %swap3A_61] : memref<2816x512xi32, #tpu.memory_space<vmem>>, vector<88x512xi32>
    tpu.vector_store %arg2[%swap3A_60, %swap3A_61], %or3A_48 {strides = array<i32>} : memref<2816x512xi32, #tpu.memory_space<vmem>>, vector<88x512xi32>,
    %swap3A_63 = arith.constant 440 : index
    %swap3A_64 = arith.constant 0 : index
    %swap3A_65 = vector.load %arg2[%swap3A_63, %swap3A_64] : memref<2816x512xi32, #tpu.memory_space<vmem>>, vector<88x512xi32>
    tpu.vector_store %arg2[%swap3A_63, %swap3A_64], %or3A_48 {strides = array<i32>} : memref<2816x512xi32, #tpu.memory_space<vmem>>, vector<88x512xi32>,
    %swap3A_66 = arith.constant 528 : index
    %swap3A_67 = arith.constant 0 : index
    %swap3A_68 = vector.load %arg2[%swap3A_66, %swap3A_67] : memref<2816x512xi32, #tpu.memory_space<vmem>>, vector<88x512xi32>
    tpu.vector_store %arg2[%swap3A_66, %swap3A_67], %or3A_48 {strides = array<i32>} : memref<2816x512xi32, #tpu.memory_space<vmem>>, vector<88x512xi32>,
    %swap3A_69 = arith.constant 616 : index
    %swap3A_70 = arith.constant 0 : index
    %swap3A_71 = vector.load %arg2[%swap3A_69, %swap3A_70] : memref<2816x512xi32, #tpu.memory_space<vmem>>, vector<88x512xi32>
    tpu.vector_store %arg2[%swap3A_69, %swap3A_70], %or3A_48 {strides = array<i32>} : memref<2816x512xi32, #tpu.memory_space<vmem>>, vector<88x512xi32>,
    %swap3A_72 = arith.constant 704 : index
    %swap3A_73 = arith.constant 0 : index
    %swap3A_74 = vector.load %arg2[%swap3A_72, %swap3A_73] : memref<2816x512xi32, #tpu.memory_space<vmem>>, vector<88x512xi32>
    tpu.vector_store %arg2[%swap3A_72, %swap3A_73], %or3A_48 {strides = array<i32>} : memref<2816x512xi32, #tpu.memory_space<vmem>>, vector<88x512xi32>,
    %swap3A_75 = arith.constant 792 : index
    %swap3A_76 = arith.constant 0 : index
    %swap3A_77 = vector.load %arg2[%swap3A_75, %swap3A_76] : memref<2816x512xi32, #tpu.memory_space<vmem>>, vector<88x512xi32>
    tpu.vector_store %arg2[%swap3A_75, %swap3A_76], %or3A_48 {strides = array<i32>} : memref<2816x512xi32, #tpu.memory_space<vmem>>, vector<88x512xi32>,
    %swap3A_78 = arith.constant 880 : index
    %swap3A_79 = arith.constant 0 : index
    %swap3A_80 = vector.load %arg2[%swap3A_78, %swap3A_79] : memref<2816x512xi32, #tpu.memory_space<vmem>>, vector<88x512xi32>
    tpu.vector_store %arg2[%swap3A_78, %swap3A_79], %or3A_48 {strides = array<i32>} : memref<2816x512xi32, #tpu.memory_space<vmem>>, vector<88x512xi32>,
    %swap3A_81 = arith.constant 968 : index
    %swap3A_82 = arith.constant 0 : index
    %swap3A_83 = vector.load %arg2[%swap3A_81, %swap3A_82] : memref<2816x512xi32, #tpu.memory_space<vmem>>, vector<88x512xi32>
    tpu.vector_store %arg2[%swap3A_81, %swap3A_82], %or3A_48 {strides = array<i32>} : memref<2816x512xi32, #tpu.memory_space<vmem>>, vector<88x512xi32>,
    %swap3A_84 = arith.constant 1056 : index
    %swap3A_85 = arith.constant 0 : index
    %swap3A_86 = vector.load %arg2[%swap3A_84, %swap3A_85] : memref<2816x512xi32, #tpu.memory_space<vmem>>, vector<88x512xi32>
    tpu.vector_store %arg2[%swap3A_84, %swap3A_85], %or3A_48 {strides = array<i32>} : memref<2816x512xi32, #tpu.memory_space<vmem>>, vector<88x512xi32>,
    %swap3A_87 = arith.constant 1144 : index
    %swap3A_88 = arith.constant 0 : index
    %swap3A_89 = vector.load %arg2[%swap3A_87, %swap3A_88] : memref<2816x512xi32, #tpu.memory_space<vmem>>, vector<88x512xi32>
    tpu.vector_store %arg2[%swap3A_87, %swap3A_88], %or3A_48 {strides = array<i32>} : memref<2816x512xi32, #tpu.memory_space<vmem>>, vector<88x512xi32>,
    %swap3A_90 = arith.constant 1232 : index
    %swap3A_91 = arith.constant 0 : index
    %swap3A_92 = vector.load %arg2[%swap3A_90, %swap3A_91] : memref<2816x512xi32, #tpu.memory_space<vmem>>, vector<88x512xi32>
    tpu.vector_store %arg2[%swap3A_90, %swap3A_91], %or3A_48 {strides = array<i32>} : memref<2816x512xi32, #tpu.memory_space<vmem>>, vector<88x512xi32>,
    %swap3A_93 = arith.constant 1320 : index
    %swap3A_94 = arith.constant 0 : index
    %swap3A_95 = vector.load %arg2[%swap3A_93, %swap3A_94] : memref<2816x512xi32, #tpu.memory_space<vmem>>, vector<88x512xi32>
    tpu.vector_store %arg2[%swap3A_93, %swap3A_94], %or3A_48 {strides = array<i32>} : memref<2816x512xi32, #tpu.memory_space<vmem>>, vector<88x512xi32>,
    %swap3A_96 = arith.constant 1408 : index
    %swap3A_97 = arith.constant 0 : index
    %swap3A_98 = vector.load %arg2[%swap3A_96, %swap3A_97] : memref<2816x512xi32, #tpu.memory_space<vmem>>, vector<88x512xi32>
    tpu.vector_store %arg2[%swap3A_96, %swap3A_97], %or3A_48 {strides = array<i32>} : memref<2816x512xi32, #tpu.memory_space<vmem>>, vector<88x512xi32>,
    %swap3A_99 = arith.constant 1496 : index
    %swap3A_100 = arith.constant 0 : index
    %swap3A_101 = vector.load %arg2[%swap3A_99, %swap3A_100] : memref<2816x512xi32, #tpu.memory_space<vmem>>, vector<88x512xi32>
    tpu.vector_store %arg2[%swap3A_99, %swap3A_100], %or3A_48 {strides = array<i32>} : memref<2816x512xi32, #tpu.memory_space<vmem>>, vector<88x512xi32>,
    %swap3A_102 = arith.constant 1584 : index
    %swap3A_103 = arith.constant 0 : index
    %swap3A_104 = vector.load %arg2[%swap3A_102, %swap3A_103] : memref<2816x512xi32, #tpu.memory_space<vmem>>, vector<88x512xi32>
    tpu.vector_store %arg2[%swap3A_102, %swap3A_103], %or3A_48 {strides = array<i32>} : memref<2816x512xi32, #tpu.memory_space<vmem>>, vector<88x512xi32>,
    %swap3A_105 = arith.constant 1672 : index
    %swap3A_106 = arith.constant 0 : index
    %swap3A_107 = vector.load %arg2[%swap3A_105, %swap3A_106] : memref<2816x512xi32, #tpu.memory_space<vmem>>, vector<88x512xi32>
    tpu.vector_store %arg2[%swap3A_105, %swap3A_106], %or3A_48 {strides = array<i32>} : memref<2816x512xi32, #tpu.memory_space<vmem>>, vector<88x512xi32>,
    %swap3A_108 = arith.constant 1760 : index
    %swap3A_109 = arith.constant 0 : index
    %swap3A_110 = vector.load %arg2[%swap3A_108, %swap3A_109] : memref<2816x512xi32, #tpu.memory_space<vmem>>, vector<88x512xi32>
    tpu.vector_store %arg2[%swap3A_108, %swap3A_109], %or3A_48 {strides = array<i32>} : memref<2816x512xi32, #tpu.memory_space<vmem>>, vector<88x512xi32>,
    %swap3A_111 = arith.constant 1848 : index
    %swap3A_112 = arith.constant 0 : index
    %swap3A_113 = vector.load %arg2[%swap3A_111, %swap3A_112] : memref<2816x512xi32, #tpu.memory_space<vmem>>, vector<88x512xi32>
    tpu.vector_store %arg2[%swap3A_111, %swap3A_112], %or3A_48 {strides = array<i32>} : memref<2816x512xi32, #tpu.memory_space<vmem>>, vector<88x512xi32>,
    %swap3A_114 = arith.constant 1936 : index
    %swap3A_115 = arith.constant 0 : index
    %swap3A_116 = vector.load %arg2[%swap3A_114, %swap3A_115] : memref<2816x512xi32, #tpu.memory_space<vmem>>, vector<88x512xi32>
    tpu.vector_store %arg2[%swap3A_114, %swap3A_115], %or3A_48 {strides = array<i32>} : memref<2816x512xi32, #tpu.memory_space<vmem>>, vector<88x512xi32>,
    %swap3A_117 = arith.constant 2024 : index
    %swap3A_118 = arith.constant 0 : index
    %swap3A_119 = vector.load %arg2[%swap3A_117, %swap3A_118] : memref<2816x512xi32, #tpu.memory_space<vmem>>, vector<88x512xi32>
    tpu.vector_store %arg2[%swap3A_117, %swap3A_118], %or3A_48 {strides = array<i32>} : memref<2816x512xi32, #tpu.memory_space<vmem>>, vector<88x512xi32>,
    %swap3A_120 = arith.constant 2112 : index
    %swap3A_121 = arith.constant 0 : index
    %swap3A_122 = vector.load %arg2[%swap3A_120, %swap3A_121] : memref<2816x512xi32, #tpu.memory_space<vmem>>, vector<88x512xi32>
    tpu.vector_store %arg2[%swap3A_120, %swap3A_121], %or3A_48 {strides = array<i32>} : memref<2816x512xi32, #tpu.memory_space<vmem>>, vector<88x512xi32>,
    %swap3A_123 = arith.constant 2200 : index
    %swap3A_124 = arith.constant 0 : index
    %swap3A_125 = vector.load %arg2[%swap3A_123, %swap3A_124] : memref<2816x512xi32, #tpu.memory_space<vmem>>, vector<88x512xi32>
    tpu.vector_store %arg2[%swap3A_123, %swap3A_124], %or3A_48 {strides = array<i32>} : memref<2816x512xi32, #tpu.memory_space<vmem>>, vector<88x512xi32>,
    %swap3A_126 = arith.constant 2288 : index
    %swap3A_127 = arith.constant 0 : index
    %swap3A_128 = vector.load %arg2[%swap3A_126, %swap3A_127] : memref<2816x512xi32, #tpu.memory_space<vmem>>, vector<88x512xi32>
    tpu.vector_store %arg2[%swap3A_126, %swap3A_127], %or3A_48 {strides = array<i32>} : memref<2816x512xi32, #tpu.memory_space<vmem>>, vector<88x512xi32>,
    %swap3A_129 = arith.constant 2376 : index
    %swap3A_130 = arith.constant 0 : index
    %swap3A_131 = vector.load %arg2[%swap3A_129, %swap3A_130] : memref<2816x512xi32, #tpu.memory_space<vmem>>, vector<88x512xi32>
    tpu.vector_store %arg2[%swap3A_129, %swap3A_130], %or3A_48 {strides = array<i32>} : memref<2816x512xi32, #tpu.memory_space<vmem>>, vector<88x512xi32>,
    %swap3A_132 = arith.constant 2464 : index
    %swap3A_133 = arith.constant 0 : index
    %swap3A_134 = vector.load %arg2[%swap3A_132, %swap3A_133] : memref<2816x512xi32, #tpu.memory_space<vmem>>, vector<88x512xi32>
    tpu.vector_store %arg2[%swap3A_132, %swap3A_133], %or3A_48 {strides = array<i32>} : memref<2816x512xi32, #tpu.memory_space<vmem>>, vector<88x512xi32>,
    %swap3A_135 = arith.constant 2552 : index
    %swap3A_136 = arith.constant 0 : index
    %swap3A_137 = vector.load %arg2[%swap3A_135, %swap3A_136] : memref<2816x512xi32, #tpu.memory_space<vmem>>, vector<88x512xi32>
    tpu.vector_store %arg2[%swap3A_135, %swap3A_136], %or3A_48 {strides = array<i32>} : memref<2816x512xi32, #tpu.memory_space<vmem>>, vector<88x512xi32>,
    %swap3A_138 = arith.constant 2640 : index
    %swap3A_139 = arith.constant 0 : index
    %swap3A_140 = vector.load %arg2[%swap3A_138, %swap3A_139] : memref<2816x512xi32, #tpu.memory_space<vmem>>, vector<88x512xi32>
    tpu.vector_store %arg2[%swap3A_138, %swap3A_139], %or3A_48 {strides = array<i32>} : memref<2816x512xi32, #tpu.memory_space<vmem>>, vector<88x512xi32>,
    %swap3A_141 = arith.constant 2728 : index
    %swap3A_142 = arith.constant 0 : index
    %swap3A_143 = vector.load %arg2[%swap3A_141, %swap3A_142] : memref<2816x512xi32, #tpu.memory_space<vmem>>, vector<88x512xi32>
    tpu.vector_store %arg2[%swap3A_141, %swap3A_142], %or3A_48 {strides = array<i32>} : memref<2816x512xi32, #tpu.memory_space<vmem>>, vector<88x512xi32>,
    %get3A_144 = arith.constant 88 : index
    %get3A_145 = arith.constant 0 : index
    %get3A_146 = vector.load %arg1[%get3A_144, %get3A_145] : memref<96x16xf32, #tpu.memory_space<vmem>>, vector<4x16xf32>
    %dot_general3A_147 = arith.constant dense<0.000000e+00> : vector<4x2048xf32>
    %dot_general3A_148 = tpu.matmul %get3A_146, %concatenate3A, %dot_general3A_147 {dimension_numbers = #tpu.dot_dimension_numbers<[1], [1], [0], [0], [0, 0, 1, 0], [], []>, transpose_lhs_hint = false} : vector<4x16xf32>, vector<2048x16xf32>, vector<4x2048xf32> -> vector<4x2048xf32>
    %jit3A = arith.constant 0.000000e+00 : f32
    %jit3A_149 = arith.constant 8.400000e+01 : f32
    %max3A = vector.broadcast %jit3A : f32 to vector<4x2048xf32>
    %max3A_150 = arith.maximumf %max3A, %dot_general3A_148 : vector<4x2048xf32>
    %min3A = vector.broadcast %jit3A_149 : f32 to vector<4x2048xf32>
    %min3A_151 = arith.minimumf %min3A, %max3A_150 : vector<4x2048xf32>
    %convert_element_type3A_152 = arith.fptosi %min3A_151 : vector<4x2048xf32> to vector<4x2048xi32>
    %swap3A_153 = arith.constant 0 : index
    %swap3A_154 = arith.constant 0 : index
    %swap3A_155 = vector.load %arg3[%swap3A_153, %swap3A_154] : memref<4x2048xi32, #tpu.memory_space<vmem>>, vector<4x2048xi32>
    tpu.vector_store %arg3[%swap3A_153, %swap3A_154], %convert_element_type3A_152 {strides = array<i32>} : memref<4x2048xi32, #tpu.memory_space<vmem>>, vector<4x2048xi32>,
    return
  }
}

</mosaic_0001>

<sc_bundles>
// kernel: kernel.4.cloned.1.call-start
scs
__scs_entry_jumppad:
0x0: {  	(pc) =	sbr.rel $0x88, $3  }
0x1: {  	(tag) =	ssettag $0x0;
	lr =	simm.s32 $0x1  }
0x2: {  	[smem:$0x3F9E] =	sst lr;
	_ =	strace $0xD0000000  }
0x3: {  	_ = 	snop  }
0x4: {  	_ = 	snop  }
0x5: {  	_ = 	snop  }
0x6: {  	_ = 	snop  }
0x7: {  	_ = 	snop  }
__scs_overlays_trampoline_lowered:
0x8: {  	[smem:$0x3FAD] =	sst s0  }
0x9: {  	[smem:$0x3FAE] =	sst s1  }
0xa: {  	[smem:$0x3FAF] =	sst s2  }
0xb: {  	[smem:$0x3FB0] =	sst s3  }
0xc: {  	[smem:$0x3FB1] =	sst s4  }
0xd: {  	[smem:$0x3FB2] =	sst s5  }
0xe: {  	[smem:$0x3FB3] =	sst s6  }
0xf: {  	[smem:$0x3FB4] =	sst s7  }
0x10: {  	[smem:$0x3FB5] =	sst s8  }
0x11: {  	[smem:$0x3FB6] =	sst s9;
	s0 =	simm.s32 @!p0 $0x0  }
0x12: {  	s1 =	sld [smem:$0x3F9C];
	s0 =	simm.s32 @p0 $0x1  }
0x13: {  	[smem:$0x3FB7] =	sst s0;
	s0 =	simm.s32 @!p1 $0x0  }
0x14: {  	s2 =	sld [smem:$0x3F9B];
	s0 =	simm.s32 @p1 $0x1  }
0x15: {  	[smem:$0x3FB8] =	sst s0;
	s0 =	simm.s32 @!p2 $0x0  }
0x16: {  	s3 =	sld [smem:$0x3FDB];
	s0 =	simm.s32 @p2 $0x1  }
0x17: {  	s4 =	simm.s32 $0x1BF5;
	[smem:$0x3FBA] =	sst s0  }
0x18: {  	s0 =	sld [smem:$0x3F9D];
	_ =	swait.ge [sflag:s4], $0x0  }
0x19: {  	s7 =	sld [smem:$0x3F9E]  }
0x1a: {  	s8 =	sadd.s32 $0xFFFFE003, lr  }
0x1b: {  	s9 =	sadd.s32 $0xFFFFFEF7, lr;
	s5 =	simm.s32 $0xFFFFFFFF;
	p2 =	slt.u32 s8, $0xFFFFF086  }
0x1c: {  	p1 =	slt.u32 s9, $0xF7A;
	s5 =	simm.s32 @!p2 $0x0  }
0x1d: {  	s5 =	simm.s32 @p1 $0x1;
	p0 =	seq.s32 s7, s2  }
0x1e: {  	s7 =	smul.u32 @!p0 $0xF7A, s2;
	p2 =	seq.s32 @!p0 s5, $0x0  }
0x1f: {  	s9 =	smul.u32 $0xF7A, s1;
	s8 =	simm.s32 @!p0 $0x1BF5;
	p2 =	por !p2, p0  }
0x20: {  	[sflag:s8] =	ssyncset.s32 @!p0 $0xFFFFF086;
	s6 =	sadd.s32 @!p0 s3, s7;
	s7 =	simm.s32 @!p0 $0x108  }
0x21: {  	s3 =	sadd.s32 s3, s9;
	s6 =	sadd.s32 @!p0 $0x88, s6;
	s7 =	simm.s32 @p2 $0x1082  }
0x22: {  	[simem:s7], [sflag:s8] =	dma.local @!p0 [hbm:s6], $0xF7A  }
0x23: {  	s9 =	sor.u32 $0xD0000000, s2;
	s6 =	simm.s32 $0x108;
	_ =	swait.ge @!p0 [sflag:s8], $0x0  }
0x24: {  	s3 =	sadd.s32 $0x88, s3;
	s6 =	simm.s32 @!p1 $0x1082;
	[sflag:s4] =	ssyncset.s32 $0xFFFFF086  }
0x25: {  	[simem:s6], [sflag:s4] =	dma.local [hbm:s3], $0xF7A  }
0x26: {  	[smem:$0x3F9E] =	sst s1;
	(tag) =	ssettag s2;
	_ =	strace s9  }
0x27: {  	s1 =	sld [smem:$0x3FAE]  }
0x28: {  	s2 =	sld [smem:$0x3FAF]  }
0x29: {  	s4 =	sld [smem:$0x3FB1]  }
0x2a: {  	p0 =	seq.s32 s5, $0x0;
	s5 =	sld [smem:$0x3FB2]  }
0x2b: {  	s6 =	sld [smem:$0x3FB3]  }
0x2c: {  	s7 =	sld [smem:$0x3FB4]  }
0x2d: {  	s3 =	simm.s32 $0x108;
	s8 =	sld [smem:$0x3FB5]  }
0x2e: {  	s3 =	simm.s32 @!p0 $0x1082;
	s9 =	sld [smem:$0x3FB6]  }
0x2f: {  	lr =	sadd.s32 s0, s3;
	s0 =	sld [smem:$0x3FAD]  }
0x30: {  	s3 =	sld [smem:$0x3FB0]  }
0x31: {  	[smem:$0x3FB9] =	sst s10  }
0x32: {  	s10 =	sld [smem:$0x3FB7];
	_ =	sdelay $0x3  }
0x33: {  	p0 =	seq.s32 s10, $0x1;
	s10 =	sld [smem:$0x3FB9];
	_ =	sdelay $0x3  }
0x34: {  	[smem:$0x3FB9] =	sst s10  }
0x35: {  	s10 =	sld [smem:$0x3FB8];
	_ =	sdelay $0x3  }
0x36: {  	p1 =	seq.s32 s10, $0x1;
	s10 =	sld [smem:$0x3FB9];
	_ =	sdelay $0x3  }
0x37: {  	[smem:$0x3FB9] =	sst s10  }
0x38: {  	s10 =	sld [smem:$0x3FBA]  }
0x39: {  	_ = 	snop;
	(pc) =	sbr.ind lr, $3  }
0x3a: {  	_ = 	snop  }
0x3b: {  	_ = 	snop  }
0x3c: {  	p2 =	seq.s32 s10, $0x1;
	s10 =	sld [smem:$0x3FB9]  }
0x3d: {  	_ =	shalt  }
0x3e: {  	_ =	shalt  }
0x3f: {  	_ =	shalt  }
0x40: {  	_ =	shalt  }
0x41: {  	_ =	shalt  }
0x42: {  	_ =	shalt  }
0x43: {  	_ =	shalt  }
0x44: {  	_ =	shalt  }
0x45: {  	_ =	shalt  }
0x46: {  	_ =	shalt  }
0x47: {  	_ =	shalt  }
0x48: {  	_ =	shalt  }
0x49: {  	_ =	shalt  }
0x4a: {  	_ =	shalt  }
0x4b: {  	_ =	shalt  }
0x4c: {  	_ =	shalt  }
0x4d: {  	_ =	shalt  }
0x4e: {  	_ =	shalt  }
0x4f: {  	_ =	shalt  }
0x50: {  	_ =	shalt  }
0x51: {  	_ =	shalt  }
0x52: {  	_ =	shalt  }
0x53: {  	_ =	shalt  }
0x54: {  	_ =	shalt  }
0x55: {  	_ =	shalt  }
0x56: {  	_ =	shalt  }
0x57: {  	_ =	shalt  }
0x58: {  	_ =	shalt  }
0x59: {  	_ =	shalt  }
0x5a: {  	_ =	shalt  }
0x5b: {  	_ =	shalt  }
0x5c: {  	_ =	shalt  }
0x5d: {  	_ =	shalt  }
0x5e: {  	_ =	shalt  }
0x5f: {  	_ =	shalt  }
0x60: {  	_ =	shalt  }
0x61: {  	_ =	shalt  }
0x62: {  	_ =	shalt  }
0x63: {  	_ =	shalt  }
0x64: {  	_ =	shalt  }
0x65: {  	_ =	shalt  }
0x66: {  	_ =	shalt  }
0x67: {  	_ =	shalt  }
0x68: {  	_ =	shalt  }
0x69: {  	_ =	shalt  }
0x6a: {  	_ =	shalt  }
0x6b: {  	_ =	shalt  }
0x6c: {  	_ =	shalt  }
0x6d: {  	_ =	shalt  }
0x6e: {  	_ =	shalt  }
0x6f: {  	_ =	shalt  }
0x70: {  	_ =	shalt  }
0x71: {  	_ =	shalt  }
0x72: {  	_ =	shalt  }
0x73: {  	_ =	shalt  }
0x74: {  	_ =	shalt  }
0x75: {  	_ =	shalt  }
0x76: {  	_ =	shalt  }
0x77: {  	_ =	shalt  }
0x78: {  	_ =	shalt  }
0x79: {  	_ =	shalt  }
0x7a: {  	_ =	shalt  }
0x7b: {  	_ =	shalt  }
0x7c: {  	_ =	shalt  }
0x7d: {  	_ =	shalt  }
0x7e: {  	_ =	shalt  }
0x7f: {  	_ =	shalt  }
0x80: {  	_ =	shalt  }
0x81: {  	_ =	shalt  }
0x82: {  	_ =	shalt  }
0x83: {  	_ =	shalt  }
0x84: {  	_ =	shalt  }
0x85: {  	_ =	shalt  }
0x86: {  	_ =	shalt  }
0x87: {  	_ =	shalt  }
.Lfunc_end0:
.L_simem_size_0:
called_computation_lowered:
.L_overlay_start_0:
0x88: {  	s2 =	sld [smem:$0x3FD9]  }
0x89: {  	s3 =	sld [smem:$0x3FFE];
	_ =	sdelay $0x1  }
0x8a: {  	s1 =	srdreg.scid  }
0x8b: {  	s0 =	sand.u32 $0x1, s1  }
0x8c: {  	s17 =	sshll.u32 s0, $0xA;
	s2 =	sadd.s32 s3, s2  }
0x8d: {  	s2 =	sadd.s32 s2, s17  }
0x8e: {  	[smem:$0x3FC5] =	sst s2  }
0x8f: {  	_ = 	snop  }
0x90: {  	s2 =	sld [smem:$0x3FC8]  }
0x91: {  	s18 =	sld [smem:$0x3FD0];
	(tm) =	ssettm $0x1  }
0x92: {  	s4 =	sld [smem:$0x3FFB];
	_ =	sdelay $0x3  }
0x93: {  	_ =	strace s4  }
0x94: {  	s4 =	sld [smem:$0x3FFC];
	_ =	sdelay $0x3  }
0x95: {  	_ =	strace s4  }
0x96: {  	s4 =	sld [smem:$0x3FFD];
	_ =	sdelay $0x3  }
0x97: {  	_ =	strace s4  }
0x98: {  	_ =	strace $0x8FFFFFFF  }
0x99: {  	s19 =	sld [smem:$0x3FDB];
	_ =	sdelay $0x1  }
0x9a: {  	s5 =	simm.s32 $_scs_section_size  }
0x9b: {  	s6 =	simm.s32 $_size__tile_overlayer_lowered;
	s7 =	simm.s32 $_tile_overlayer_lowered  }
0x9c: {  	s22 =	simm.s32 $0x1BFF;
	s21 =	sshll.u32 s7, $0x1;
	s4 =	sadd.s32 s5, s19  }
0x9d: {  	s8 =	simm.s32 $0x0;
	s20 =	sshll.u32 s6, $0x1;
	s6 =	sadd.s32 s21, s4  }
0x9e: {  	[timem:s8], [sflag:s22] =	dma.local [hbm:s6], s20  }
0x9f: {  	_ =	swait.ge [sflag:s22], s20  }
0xa0: {  	s5 =	ssub.s32 $0x0, s20;
	[sflag:s22] =	ssyncset.done $0x0  }
0xa1: {  	[sflag:s22] =	ssyncadd.s32 s5;
	_ =	sdelay $0x1  }
0xa2: {  	s23 =	simm.s32 $0x1B8B  }
0xa3: {  	_ =	swait.ge [sflag:s23], $0x1  }
0xa4: {  	[sflag:s23] =	ssyncset.done $0x0  }
0xa5: {  	s25 =	simm.s32 $0x1B8E;
	s24 =	sld [smem:$0x3FFE];
	[sflag:s23] =	ssyncadd.s32 $0xFFFFFFFF  }
0xa6: {  	s26 =	simm.s32 $execute0_lowered;
	[smem:$0x3FD2] =	sst s25  }
0xa7: {  	s6 =	sshll.u32 s26, $0x1;
	_ =	strace $0x80000046;
	[dreg:$0x1] =	wrdreg $0xFFFFFFFF  }
0xa8: {  	s28 =	simm.s32 $_size_execute0_lowered;
	s4 =	sadd.s32 s4, s6;
	[dreg:$0x0] =	wrdreg $0x0  }
0xa9: {  	s6 =	sshll.u32 s28, $0x1;
	[dreg:$0x2] =	wrdreg s4  }
0xaa: {  	[dreg:$0x3] =	wrdreg s6  }
0xab: {  	[dreg:$0x4] =	wrdreg $0xC0  }
0xac: {  	_ =	task [dreg:s8], $0x5FFFF  }
0xad: {  	[dreg:$0x1] =	wrdreg $0xFFFFFFFF  }
0xae: {  	[dreg:$0x0] =	wrdreg $0x60  }
0xaf: {  	[dreg:$0x2] =	wrdreg s24  }
0xb0: {  	[dreg:$0x3] =	wrdreg s2  }
0xb1: {  	[dreg:$0x4] =	wrdreg s18  }
0xb2: {  	[dreg:$0x5] =	wrdreg $0x9  }
0xb3: {  	_ =	task.clear_ibuf [dreg:s8], $0x6FFFF;
	_ =	strace $0x90000046  }
0xb4: {  	s29 =	simm.s32 $0x9;
	_ =	strace $0x8000005C  }
0xb5: {  	_ =	swait.ge [sflag:s29], $0x1  }
0xb6: {  	[sflag:s29] =	ssyncadd.s32 $0xFFFFFFFF  }
0xb7: {  	_ =	strace $0x9000005C  }
0xb8: {  	_ =	sfence  }
0xb9: {  	s30 =	sld [smem:$0x0];
	_ =	sdelay $0x2  }
0xba: {  	s31 =	sshll.u32 s1, $0xD;
	s1 =	sshrl.u32 s1, $0x2  }
0xbb: {  	s3 =	sand.u32 $0x4000, s31;
	s1 =	sadd.s32 s1, s30  }
0xbc: {  	s0 =	sor.u32 s3, s0;
	s1 =	sshll.u32 s1, $0x11  }
0xbd: {  	s0 =	sor.u32 s1, s0  }
0xbe: {  	s0 =	sadd.s32 $0x8F2B, s0  }
0xbf: {  	[sflag:s0] =	ssyncadd.remote.s32 $0x1  }
0xc0: {  	_ =	sfence.sel $0xFFFF  }
0xc1: {  	[dreg:$0x0] =	wrdreg $0xFFFFFFFF;
	(pc) =	sbr.abs _section_cstart, $3  }
0xc2: {  	[dreg:$0x1] =	wrdreg $0xFFFFFFFF  }
0xc3: {  	_ =	task.clear_ibuf [dreg:s8], $0x2FFFF;
	_ =	strace $0x9FFFFFFF  }
0xc4: {  	(tm) =	ssettm $0x7FFFFFFF  }
0xc5: {  	_ =	shalt  }
tec
execute0_lowered:
.L_overlay_start_1:
0x0: {  	(tag) =	ssettag $0x1  }
0x1: {  	s1 =	rddreg [dreg:$0x0]  }
0x2: {  	s3 =	rddreg [dreg:$0x1]  }
0x3: {  	s2 =	srdreg.scid;
	s0 =	stileid.u32  }
0x4: {  	s4 =	rddreg [dreg:$0x2];
	s5 =	sand.u32 $0x1, s2;
	s2 =	simm.s32 $0x0  }
0x5: {  	s25 =	simm.s32 $0x2000;
	s8 =	sadd.s32 $0x2D000, s1;
	[smem:$0x7FF] =	sst s2  }
0x6: {  	s26 =	simm.s32 $0x2080;
	_ =	strace $0x80000047;
	[dreg:$0x4] =	wrdreg s8  }
0x7: {  	s10 =	simm.s32 $0x5180;
	s11 =	simm.s32 $0x5980;
	[dreg:$0xe] =	wrdreg s25  }
0x8: {  	s6 =	sshll.u32 s0, $0x1;
	s0 =	simm.s32 $0x2980;
	[dreg:$0xf] =	wrdreg s26  }
0x9: {  	s13 =	simm.s32 $0x6980;
	s14 =	simm.s32 $0x7180;
	[dreg:$0x10] =	wrdreg s0  }
0xa: {  	s15 =	simm.s32 $0x7980;
	s16 =	simm.s32 $0x8980;
	[dreg:$0x14] =	wrdreg s10  }
0xb: {  	s28 =	simm.s32 $0x5;
	s29 =	simm.s32 $0x6;
	[dreg:$0x15] =	wrdreg s11  }
0xc: {  	s30 =	simm.s32 $0x7;
	s31 =	simm.s32 $0x8;
	[dreg:$0x16] =	wrdreg s13  }
0xd: {  	s6 =	sor.u32 s5, s6;
	s5 =	ssub.s32 $0x2, s5;
	[dreg:$0x17] =	wrdreg s14  }
0xe: {  	s7 =	sshll.u32 s6, $0x4;
	s18 =	sshll.u32 s6, $0xD;
	[dreg:$0x18] =	wrdreg s15  }
0xf: {  	s8 =	simm.s32 $0x3980;
	s12 =	sshrl.u32 s5, $0x1;
	[dreg:$0x19] =	wrdreg s16  }
0x10: {  	s26 =	smul.u32 $0x58, s6;
	s25 =	simm.s32 $0xE980;
	[dreg:$0x12] =	wrdreg s8  }
0x11: {  	s9 =	sadd.s32 s7, s1;
	s7 =	sadd.s32 s3, s7;
	[smem:$0x7FD] =	sst s25  }
0x12: {  	s3 =	sadd.s32 s4, s18;
	s18 =	simm.s32 $0x9980;
	[dreg:$0x6] =	wrdreg s7  }
0x13: {  	s10 =	simm.s32 $0x2180;
	s17 =	sadd.s32 $0xE00, s9;
	[dreg:$0x1b] =	wrdreg s18  }
0x14: {  	s11 =	simm.s32 $0x4180;
	s4 =	sadd.s32 $0x400, s3;
	[dreg:$0x5] =	wrdreg s17  }
0x15: {  	s13 =	simm.s32 $0x8180;
	s19 =	sadd.s32 $0x800, s3;
	[dreg:$0x7] =	wrdreg s4  }
0x16: {  	s14 =	simm.s32 $0xA180;
	s20 =	sadd.s32 $0xC00, s3;
	[dreg:$0x8] =	wrdreg s19  }
0x17: {  	s15 =	simm.s32 $0xC180;
	s21 =	sadd.s32 $0x1000, s3;
	[dreg:$0x9] =	wrdreg s20  }
0x18: {  	s16 =	simm.s32 $0xE180;
	s22 =	sadd.s32 $0x1400, s3;
	[dreg:$0xa] =	wrdreg s21  }
0x19: {  	s8 =	ssub.s32 s5, s12;
	s23 =	sadd.s32 $0x1800, s3;
	[dreg:$0xb] =	wrdreg s22  }
0x1a: {  	s5 =	sadd.s32 $0x1100, s1;
	s24 =	sadd.s32 $0x1C00, s3;
	[dreg:$0xc] =	wrdreg s23  }
0x1b: {  	s12 =	simm.s32 $0x6180;
	s7 =	simm.s32 $0x3180;
	[dreg:$0xd] =	wrdreg s24  }
0x1c: {  	s25 =	simm.s32 $0x3;
	s9 =	simm.s32 $0x4980;
	[dreg:$0x11] =	wrdreg s7  }
0x1d: {  	s6 =	smax.u32 s8, $0x1;
	[dreg:$0x13] =	wrdreg s9;
	s17 =	simm.s32 $0x9180  }
0x1e: {  	s8 =	simm.s32 $0xB;
	s19 =	simm.s32 $0xA980;
	[dreg:$0x1a] =	wrdreg s17  }
0x1f: {  	v0 =	vmov s26;
	s26 =	simm.s32 $0x4;
	s20 =	simm.s32 $0xB180;
	[dreg:$0x1c] =	wrdreg s19  }
0x20: {  	s4 =	sadd.s32 $0x1000, s1;
	s21 =	simm.s32 $0xB980;
	[dreg:$0x1d] =	wrdreg s20  }
0x21: {  	s7 =	simm.s32 $0xC;
	s22 =	simm.s32 $0xC980;
	[dreg:$0x1e] =	wrdreg s21  }
0x22: {  	s9 =	simm.s32 $0xA;
	s23 =	simm.s32 $0xD180;
	[dreg:$0x1f] =	wrdreg s22  }
0x23: {  	v3 =	vlaneseq.u32;
	s24 =	simm.s32 $0xD980;
	s1 =	simm.s32 $0x9;
	[smem:$0x7FB] =	sst s23  }
0x24: {  	vm0 =	vmmov $0xffff;
	v2 =	vshrl.u32 v3, $0x3;
	[smem:$0x7FC] =	sst s24;
	s19 =	simm.s32 $0x10180;
	s21 =	simm.s32 $0x11180  }
0x25: {  	v1 =	vand.u32 $0x7, v3;
	v3 =	vor.u32 $0x8, v3;
	v2 =	vmul.u32 $0x8, v2;
	s22 =	simm.s32 $0x11980;
	s23 =	simm.s32 $0x1;
	s24 =	simm.s32 $0x2  }
.LBB2_1:
0x26: {  	_ =	strace $0x80000048  }
0x27: {  	s0 =	rddreg [dreg:$0x4]  }
0x28: {  	s17 =	rddreg [dreg:$0xe]  }
0x29: {  	s18 =	rddreg [dreg:$0x6]  }
0x2a: {  	[tilespmem:s2], [sflag:$0xA] =	stream.linear.gather [hbm4b:s0+s2], $0x2000, $0x200038;
	[tilespmem:$0x12180] =	vst v63  }
0x2b: {  	s0 =	rddreg [dreg:$0x5]  }
0x2c: {  	[tilespmem:s17], [sflag:$0xB] =	stream.linear.gather [hbm4b:s0+s2], $0x80, $0x200038;
	[tilespmem:$0x12180] =	vst v63  }
0x2d: {  	s20 =	rddreg [dreg:$0xf]  }
0x2e: {  	[tilespmem:s20], [sflag:$0xC] =	stream.linear.gather [hbm4b:s18+s2], $0x80, $0x200038;
	[tilespmem:$0x12180] =	vst v63  }
0x2f: {  	_ =	swait.ge [sflag:s7], $0x80  }
0x30: {  	[sflag:s7] =	ssyncset.done $0x0  }
0x31: {  	[sflag:s7] =	ssyncadd.s32 $0xFFFFFF80  }
0x32: {  	_ =	swait.ge [sflag:s8], $0x80  }
0x33: {  	[sflag:s8] =	ssyncset.done $0x0  }
0x34: {  	[sflag:s8] =	ssyncadd.s32 $0xFFFFFF80  }
0x35: {  	_ =	swait.ge [sflag:s9], $0x2000  }
0x36: {  	[sflag:s9] =	ssyncset.done $0x0  }
0x37: {  	[sflag:s9] =	ssyncadd.s32 $0xFFFFE000  }
0x38: {  	_ =	strace $0x90000048  }
0x39: {  	_ =	strace $0x80000049  }
0x3a: {  	v4 =	vld [tilespmem:$0x2000]  }
0x3b: {  	v5 =	vld [tilespmem:$0x2080];
	_ =	sdelay $0x4  }
0x3c: {  	v6 =	vshll.u32 v5, $0xB;
	v7 =	vshll.u32 v4, $0x2  }
0x3d: {  	v8 =	vld [tilespmem:$0x2010];
	v5 =	vshll.u32 v5, $0x7;
	v6 =	vand.u32 $0xFFFFE000, v6;
	v7 =	vand.u32 $0xFFFFFE00, v7  }
0x3e: {  	v28 =	vld [tilespmem:$0x2090];
	v5 =	vand.u32 $0x180, v5;
	v6 =	vadd.s32 v7, v6  }
0x3f: {  	v4 =	vand.u32 $0x7F, v4;
	v5 =	vor.u32 v5, v6  }
0x40: {  	v4 =	vor.u32 v4, v5;
	_ =	sdelay $0x2  }
0x41: {  	v29 =	vshll.u32 v8, $0x2;
	v5 =	vshll.u32 v28, $0xB  }
0x42: {  	v7 =	vshll.u32 v28, $0x7;
	v6 =	vand.u32 $0xFFFFFE00, v29;
	v5 =	vand.u32 $0xFFFFE000, v5  }
0x43: {  	v30 =	vand.u32 $0x180, v7;
	v5 =	vadd.s32 v6, v5;
	v4 =	vld.idx.msk [tilespmem:v4+s2+$0x0], $0xffff  }
0x44: {  	v32 =	vld [tilespmem:$0x2020];
	v31 =	vand.u32 $0x7F, v8;
	v5 =	vor.u32 v30, v5  }
0x45: {  	v33 =	vld [tilespmem:$0x20A0];
	v5 =	vor.u32 v31, v5;
	_ =	sdelay $0x2  }
0x46: {  	v4 =	vadd.s32 v0, v4  }
0x47: {  	[tilespmem:$0x2100] =	vst v4  }
0x48: {  	v34 =	vshll.u32 v32, $0x2;
	v4 =	vld.idx.msk [tilespmem:v5+s2+$0x0], $0xffff;
	v5 =	vshll.u32 v33, $0xB  }
0x49: {  	v8 =	vand.u32 $0xFFFFFE00, v34;
	v7 =	vshll.u32 v33, $0x7;
	v5 =	vand.u32 $0xFFFFE000, v5  }
0x4a: {  	v9 =	vld [tilespmem:$0x2030];
	v7 =	vand.u32 $0x180, v7;
	v5 =	vadd.s32 v8, v5  }
0x4b: {  	v35 =	vld [tilespmem:$0x20B0];
	v6 =	vand.u32 $0x7F, v32;
	v5 =	vor.u32 v7, v5  }
0x4c: {  	v5 =	vor.u32 v6, v5;
	_ =	sdelay $0x2  }
0x4d: {  	v4 =	vadd.s32 v0, v4  }
0x4e: {  	v42 =	vld [tilespmem:$0x2040];
	v36 =	vshll.u32 v35, $0xB;
	v37 =	vshll.u32 v9, $0x2;
	[tilespmem:$0x2110] =	vst v4  }
0x4f: {  	v39 =	vshll.u32 v35, $0x7;
	v38 =	vand.u32 $0xFFFFFE00, v37;
	v4 =	vand.u32 $0xFFFFE000, v36;
	v5 =	vld.idx.msk [tilespmem:v5+s2+$0x0], $0xffff  }
0x50: {  	v43 =	vld [tilespmem:$0x20C0];
	v40 =	vand.u32 $0x180, v39;
	v4 =	vadd.s32 v38, v4  }
0x51: {  	v41 =	vand.u32 $0x7F, v9;
	v4 =	vor.u32 v40, v4  }
0x52: {  	v4 =	vor.u32 v41, v4;
	_ =	sdelay $0x1  }
0x53: {  	v5 =	vadd.s32 v0, v5  }
0x54: {  	v44 =	vshll.u32 v42, $0x2;
	[tilespmem:$0x2120] =	vst v5;
	v5 =	vshll.u32 v43, $0xB  }
0x55: {  	v45 =	vld [tilespmem:$0x2050];
	v8 =	vand.u32 $0xFFFFFE00, v44;
	v7 =	vshll.u32 v43, $0x7;
	v5 =	vand.u32 $0xFFFFE000, v5  }
0x56: {  	v7 =	vand.u32 $0x180, v7;
	v4 =	vld.idx.msk [tilespmem:v4+s2+$0x0], $0xffff;
	v5 =	vadd.s32 v8, v5  }
0x57: {  	v46 =	vld [tilespmem:$0x20D0];
	v6 =	vand.u32 $0x7F, v42;
	v5 =	vor.u32 v7, v5  }
0x58: {  	v5 =	vor.u32 v6, v5;
	_ =	sdelay $0x2  }
0x59: {  	v4 =	vadd.s32 v0, v4  }
0x5a: {  	v53 =	vld [tilespmem:$0x2060];
	v47 =	vshll.u32 v46, $0xB;
	v48 =	vshll.u32 v45, $0x2;
	[tilespmem:$0x2130] =	vst v4  }
0x5b: {  	v50 =	vshll.u32 v46, $0x7;
	v49 =	vand.u32 $0xFFFFFE00, v48;
	v4 =	vand.u32 $0xFFFFE000, v47;
	v5 =	vld.idx.msk [tilespmem:v5+s2+$0x0], $0xffff  }
0x5c: {  	v54 =	vld [tilespmem:$0x20E0];
	v51 =	vand.u32 $0x180, v50;
	v4 =	vadd.s32 v49, v4  }
0x5d: {  	v52 =	vand.u32 $0x7F, v45;
	v4 =	vor.u32 v51, v4  }
0x5e: {  	v4 =	vor.u32 v52, v4;
	_ =	sdelay $0x1  }
0x5f: {  	v5 =	vadd.s32 v0, v5  }
0x60: {  	v56 =	vld [tilespmem:$0x2070];
	v55 =	vshll.u32 v53, $0x2;
	[tilespmem:$0x2140] =	vst v5;
	v5 =	vshll.u32 v54, $0xB  }
0x61: {  	v57 =	vld [tilespmem:$0x20F0];
	v8 =	vand.u32 $0xFFFFFE00, v55;
	v7 =	vshll.u32 v54, $0x7;
	v5 =	vand.u32 $0xFFFFE000, v5  }
0x62: {  	v7 =	vand.u32 $0x180, v7;
	v4 =	vld.idx.msk [tilespmem:v4+s2+$0x0], $0xffff;
	v5 =	vadd.s32 v8, v5  }
0x63: {  	v6 =	vand.u32 $0x7F, v53;
	v5 =	vor.u32 v7, v5  }
0x64: {  	v5 =	vor.u32 v6, v5;
	_ =	sdelay $0x2  }
0x65: {  	v58 =	vshll.u32 v57, $0xB;
	v59 =	vshll.u32 v56, $0x2;
	v4 =	vadd.s32 v0, v4  }
0x66: {  	v61 =	vshll.u32 v57, $0x7;
	v60 =	vand.u32 $0xFFFFFE00, v59;
	[tilespmem:$0x2150] =	vst v4;
	v4 =	vand.u32 $0xFFFFE000, v58  }
0x67: {  	v62 =	vand.u32 $0x180, v61;
	v4 =	vadd.s32 v60, v4;
	v5 =	vld.idx.msk [tilespmem:v5+s2+$0x0], $0xffff  }
0x68: {  	v63 =	vand.u32 $0x7F, v56;
	v4 =	vor.u32 v62, v4  }
0x69: {  	v4 =	vor.u32 v63, v4;
	_ =	sdelay $0x2  }
0x6a: {  	v5 =	vadd.s32 v0, v5  }
0x6b: {  	[tilespmem:$0x2160] =	vst v5  }
0x6c: {  	v4 =	vld.idx.msk [tilespmem:v4+s2+$0x0], $0xffff;
	_ =	sdelay $0x4  }
0x6d: {  	v4 =	vadd.s32 v0, v4  }
0x6e: {  	[tilespmem:$0x2170] =	vst v4  }
0x6f: {  	_ =	strace $0x90000049  }
0x70: {  	_ =	strace $0x8000004A  }
0x71: {  	v4 =	vld [tilespmem:$0x2100];
	_ =	sdelay $0x4  }
0x72: {  	v5 =	vshll.u32 v4, $0x2  }
0x73: {  	v4 =	vand.u32 $0x7, v4;
	v5 =	vand.u32 $0xFFFFFFE0, v5  }
0x74: {  	v4 =	vor.u32 v4, v5  }
0x75: {  	v5 =	vperm.xlane v4, v1;
	_ =	sdelay $0x1  }
0x76: {  	v5 =	vadd.s32 v2, v5;
	_ =	sdelay $0x1  }
0x77: {  	v4 =	vperm.xlane v4, v3;
	_ =	sdelay $0x1  }
0x78: {  	v4 =	vadd.s32 v2, v4  }
0x79: {  	[tilespmem:s10], [sflag:$0x1] =	stream.indirect_vreg.gather [hbm4b:s4+s2], $0x80, v5, vm0, $0x2000b8;
	[tilespmem:$0x12180] =	vst v63  }
0x7a: {  	s17 =	rddreg [dreg:$0x10]  }
0x7b: {  	[tilespmem:s17], [sflag:$0x1] =	stream.indirect_vreg.gather [hbm4b:s5+s2], $0x80, v5, vm0, $0x2000b8;
	[tilespmem:$0x12180] =	vst v63  }
0x7c: {  	s18 =	rddreg [dreg:$0x11]  }
0x7d: {  	[tilespmem:s18], [sflag:$0x1] =	stream.indirect_vreg.gather [hbm4b:s4+s2], $0x80, v4, vm0, $0x2000b8;
	[tilespmem:$0x12180] =	vst v63  }
0x7e: {  	s20 =	rddreg [dreg:$0x12]  }
0x7f: {  	[tilespmem:s20], [sflag:$0x1] =	stream.indirect_vreg.gather [hbm4b:s5+s2], $0x80, v4, vm0, $0x2000b8;
	[tilespmem:$0x12180] =	vst v63  }
0x80: {  	v4 =	vld [tilespmem:$0x2110];
	_ =	sdelay $0x4  }
0x81: {  	v5 =	vshll.u32 v4, $0x2  }
0x82: {  	v4 =	vand.u32 $0x7, v4;
	v5 =	vand.u32 $0xFFFFFFE0, v5  }
0x83: {  	v4 =	vor.u32 v4, v5  }
0x84: {  	v5 =	vperm.xlane v4, v1;
	_ =	sdelay $0x1  }
0x85: {  	v5 =	vadd.s32 v2, v5;
	_ =	sdelay $0x1  }
0x86: {  	v4 =	vperm.xlane v4, v3;
	_ =	sdelay $0x1  }
0x87: {  	v4 =	vadd.s32 v2, v4  }
0x88: {  	[tilespmem:s11], [sflag:$0x2] =	stream.indirect_vreg.gather [hbm4b:s4+s2], $0x80, v5, vm0, $0x2000b8;
	[tilespmem:$0x12180] =	vst v63  }
0x89: {  	s17 =	rddreg [dreg:$0x13]  }
0x8a: {  	[tilespmem:s17], [sflag:$0x2] =	stream.indirect_vreg.gather [hbm4b:s5+s2], $0x80, v5, vm0, $0x2000b8;
	[tilespmem:$0x12180] =	vst v63  }
0x8b: {  	s18 =	rddreg [dreg:$0x14]  }
0x8c: {  	[tilespmem:s18], [sflag:$0x2] =	stream.indirect_vreg.gather [hbm4b:s4+s2], $0x80, v4, vm0, $0x2000b8;
	[tilespmem:$0x12180] =	vst v63  }
0x8d: {  	s20 =	rddreg [dreg:$0x15]  }
0x8e: {  	[tilespmem:s20], [sflag:$0x2] =	stream.indirect_vreg.gather [hbm4b:s5+s2], $0x80, v4, vm0, $0x2000b8;
	[tilespmem:$0x12180] =	vst v63  }
0x8f: {  	v4 =	vld [tilespmem:$0x2120];
	_ =	sdelay $0x4  }
0x90: {  	v5 =	vshll.u32 v4, $0x2  }
0x91: {  	v4 =	vand.u32 $0x7, v4;
	v5 =	vand.u32 $0xFFFFFFE0, v5  }
0x92: {  	v4 =	vor.u32 v4, v5  }
0x93: {  	v5 =	vperm.xlane v4, v1;
	_ =	sdelay $0x1  }
0x94: {  	v5 =	vadd.s32 v2, v5;
	_ =	sdelay $0x1  }
0x95: {  	v4 =	vperm.xlane v4, v3;
	_ =	sdelay $0x1  }
0x96: {  	v4 =	vadd.s32 v2, v4  }
0x97: {  	[tilespmem:s12], [sflag:$0x3] =	stream.indirect_vreg.gather [hbm4b:s4+s2], $0x80, v5, vm0, $0x2000b8;
	[tilespmem:$0x12180] =	vst v63  }
0x98: {  	s17 =	rddreg [dreg:$0x16]  }
0x99: {  	[tilespmem:s17], [sflag:$0x3] =	stream.indirect_vreg.gather [hbm4b:s5+s2], $0x80, v5, vm0, $0x2000b8;
	[tilespmem:$0x12180] =	vst v63  }
0x9a: {  	s18 =	rddreg [dreg:$0x17]  }
0x9b: {  	[tilespmem:s18], [sflag:$0x3] =	stream.indirect_vreg.gather [hbm4b:s4+s2], $0x80, v4, vm0, $0x2000b8;
	[tilespmem:$0x12180] =	vst v63  }
0x9c: {  	s20 =	rddreg [dreg:$0x18]  }
0x9d: {  	[tilespmem:s20], [sflag:$0x3] =	stream.indirect_vreg.gather [hbm4b:s5+s2], $0x80, v4, vm0, $0x2000b8;
	[tilespmem:$0x12180] =	vst v63  }
0x9e: {  	v4 =	vld [tilespmem:$0x2130];
	_ =	sdelay $0x4  }
0x9f: {  	v5 =	vshll.u32 v4, $0x2  }
0xa0: {  	v4 =	vand.u32 $0x7, v4;
	v5 =	vand.u32 $0xFFFFFFE0, v5  }
0xa1: {  	v4 =	vor.u32 v4, v5  }
0xa2: {  	v5 =	vperm.xlane v4, v1;
	_ =	sdelay $0x1  }
0xa3: {  	v5 =	vadd.s32 v2, v5;
	_ =	sdelay $0x1  }
0xa4: {  	v4 =	vperm.xlane v4, v3;
	_ =	sdelay $0x1  }
0xa5: {  	v4 =	vadd.s32 v2, v4  }
0xa6: {  	[tilespmem:s13], [sflag:$0x4] =	stream.indirect_vreg.gather [hbm4b:s4+s2], $0x80, v5, vm0, $0x2000b8;
	[tilespmem:$0x12180] =	vst v63  }
0xa7: {  	s17 =	rddreg [dreg:$0x19]  }
0xa8: {  	[tilespmem:s17], [sflag:$0x4] =	stream.indirect_vreg.gather [hbm4b:s5+s2], $0x80, v5, vm0, $0x2000b8;
	[tilespmem:$0x12180] =	vst v63  }
0xa9: {  	s18 =	rddreg [dreg:$0x1a]  }
0xaa: {  	[tilespmem:s18], [sflag:$0x4] =	stream.indirect_vreg.gather [hbm4b:s4+s2], $0x80, v4, vm0, $0x2000b8;
	[tilespmem:$0x12180] =	vst v63  }
0xab: {  	s20 =	rddreg [dreg:$0x1b]  }
0xac: {  	[tilespmem:s20], [sflag:$0x4] =	stream.indirect_vreg.gather [hbm4b:s5+s2], $0x80, v4, vm0, $0x2000b8;
	[tilespmem:$0x12180] =	vst v63  }
0xad: {  	v4 =	vld [tilespmem:$0x2140];
	_ =	sdelay $0x4  }
0xae: {  	v5 =	vshll.u32 v4, $0x2  }
0xaf: {  	v4 =	vand.u32 $0x7, v4;
	v5 =	vand.u32 $0xFFFFFFE0, v5  }
0xb0: {  	v4 =	vor.u32 v4, v5  }
0xb1: {  	v5 =	vperm.xlane v4, v1;
	_ =	sdelay $0x1  }
0xb2: {  	v5 =	vadd.s32 v2, v5;
	_ =	sdelay $0x1  }
0xb3: {  	v4 =	vperm.xlane v4, v3;
	_ =	sdelay $0x1  }
0xb4: {  	v4 =	vadd.s32 v2, v4  }
0xb5: {  	[tilespmem:s14], [sflag:$0x5] =	stream.indirect_vreg.gather [hbm4b:s4+s2], $0x80, v5, vm0, $0x2000b8;
	[tilespmem:$0x12180] =	vst v63  }
0xb6: {  	s17 =	rddreg [dreg:$0x1c]  }
0xb7: {  	[tilespmem:s17], [sflag:$0x5] =	stream.indirect_vreg.gather [hbm4b:s5+s2], $0x80, v5, vm0, $0x2000b8;
	[tilespmem:$0x12180] =	vst v63  }
0xb8: {  	s18 =	rddreg [dreg:$0x1d]  }
0xb9: {  	[tilespmem:s18], [sflag:$0x5] =	stream.indirect_vreg.gather [hbm4b:s4+s2], $0x80, v4, vm0, $0x2000b8;
	[tilespmem:$0x12180] =	vst v63  }
0xba: {  	s20 =	rddreg [dreg:$0x1e]  }
0xbb: {  	[tilespmem:s20], [sflag:$0x5] =	stream.indirect_vreg.gather [hbm4b:s5+s2], $0x80, v4, vm0, $0x2000b8;
	[tilespmem:$0x12180] =	vst v63  }
0xbc: {  	v4 =	vld [tilespmem:$0x2150];
	_ =	sdelay $0x4  }
0xbd: {  	v5 =	vshll.u32 v4, $0x2  }
0xbe: {  	v4 =	vand.u32 $0x7, v4;
	v5 =	vand.u32 $0xFFFFFFE0, v5  }
0xbf: {  	v4 =	vor.u32 v4, v5  }
0xc0: {  	v5 =	vperm.xlane v4, v1;
	_ =	sdelay $0x1  }
0xc1: {  	v5 =	vadd.s32 v2, v5;
	_ =	sdelay $0x1  }
0xc2: {  	v4 =	vperm.xlane v4, v3;
	_ =	sdelay $0x1  }
0xc3: {  	s17 =	rddreg [dreg:$0x1f];
	v4 =	vadd.s32 v2, v4  }
0xc4: {  	[tilespmem:s15], [sflag:$0x6] =	stream.indirect_vreg.gather [hbm4b:s4+s2], $0x80, v5, vm0, $0x2000b8;
	[tilespmem:$0x12180] =	vst v63  }
0xc5: {  	s18 =	sld [smem:$0x7FB]  }
0xc6: {  	[tilespmem:s17], [sflag:$0x6] =	stream.indirect_vreg.gather [hbm4b:s5+s2], $0x80, v5, vm0, $0x2000b8;
	[tilespmem:$0x12180] =	vst v63  }
0xc7: {  	s20 =	sld [smem:$0x7FC]  }
0xc8: {  	[tilespmem:s18], [sflag:$0x6] =	stream.indirect_vreg.gather [hbm4b:s4+s2], $0x80, v4, vm0, $0x2000b8;
	[tilespmem:$0x12180] =	vst v63  }
0xc9: {  	_ = 	snop  }
0xca: {  	[tilespmem:s20], [sflag:$0x6] =	stream.indirect_vreg.gather [hbm4b:s5+s2], $0x80, v4, vm0, $0x2000b8;
	[tilespmem:$0x12180] =	vst v63  }
0xcb: {  	v4 =	vld [tilespmem:$0x2160];
	_ =	sdelay $0x4  }
0xcc: {  	v5 =	vshll.u32 v4, $0x2  }
0xcd: {  	v4 =	vand.u32 $0x7, v4;
	v5 =	vand.u32 $0xFFFFFFE0, v5  }
0xce: {  	v4 =	vor.u32 v4, v5  }
0xcf: {  	v5 =	vperm.xlane v4, v1;
	_ =	sdelay $0x1  }
0xd0: {  	v5 =	vadd.s32 v2, v5;
	_ =	sdelay $0x1  }
0xd1: {  	v4 =	vperm.xlane v4, v3;
	_ =	sdelay $0x1  }
0xd2: {  	s18 =	sld [smem:$0x7FD];
	v4 =	vadd.s32 v2, v4  }
0xd3: {  	[tilespmem:s16], [sflag:$0x7] =	stream.indirect_vreg.gather [hbm4b:s4+s2], $0x80, v5, vm0, $0x2000b8;
	[tilespmem:$0x12180] =	vst v63  }
0xd4: {  	_ = 	snop  }
0xd5: {  	[tilespmem:s18], [sflag:$0x7] =	stream.indirect_vreg.gather [hbm4b:s5+s2], $0x80, v5, vm0, $0x2000b8;
	[tilespmem:$0x12180] =	vst v63  }
0xd6: {  	s20 =	simm.s32 $0xF180  }
0xd7: {  	[tilespmem:s20], [sflag:$0x7] =	stream.indirect_vreg.gather [hbm4b:s4+s2], $0x80, v4, vm0, $0x2000b8;
	[tilespmem:$0x12180] =	vst v63  }
0xd8: {  	s17 =	simm.s32 $0xF980  }
0xd9: {  	[tilespmem:s17], [sflag:$0x7] =	stream.indirect_vreg.gather [hbm4b:s5+s2], $0x80, v4, vm0, $0x2000b8;
	[tilespmem:$0x12180] =	vst v63  }
0xda: {  	v4 =	vld [tilespmem:$0x2170];
	_ =	sdelay $0x4  }
0xdb: {  	v5 =	vshll.u32 v4, $0x2  }
0xdc: {  	v4 =	vand.u32 $0x7, v4;
	v5 =	vand.u32 $0xFFFFFFE0, v5  }
0xdd: {  	v4 =	vor.u32 v4, v5  }
0xde: {  	v5 =	vperm.xlane v4, v1;
	_ =	sdelay $0x1  }
0xdf: {  	v5 =	vadd.s32 v2, v5;
	_ =	sdelay $0x1  }
0xe0: {  	v4 =	vperm.xlane v4, v3;
	_ =	sdelay $0x1  }
0xe1: {  	v4 =	vadd.s32 v2, v4  }
0xe2: {  	[tilespmem:s19], [sflag:$0x8] =	stream.indirect_vreg.gather [hbm4b:s4+s2], $0x80, v5, vm0, $0x2000b8;
	[tilespmem:$0x12180] =	vst v63  }
0xe3: {  	s18 =	simm.s32 $0x10980  }
0xe4: {  	[tilespmem:s18], [sflag:$0x8] =	stream.indirect_vreg.gather [hbm4b:s5+s2], $0x80, v5, vm0, $0x2000b8;
	[tilespmem:$0x12180] =	vst v63  }
0xe5: {  	_ = 	snop  }
0xe6: {  	[tilespmem:s21], [sflag:$0x8] =	stream.indirect_vreg.gather [hbm4b:s4+s2], $0x80, v4, vm0, $0x2000b8;
	[tilespmem:$0x12180] =	vst v63  }
0xe7: {  	_ = 	snop  }
0xe8: {  	[tilespmem:s22], [sflag:$0x8] =	stream.indirect_vreg.gather [hbm4b:s5+s2], $0x80, v4, vm0, $0x2000b8;
	[tilespmem:$0x12180] =	vst v63  }
0xe9: {  	_ =	strace $0x9000004A  }
0xea: {  	_ =	strace $0x8000004B  }
0xeb: {  	_ =	swait.ge [sflag:s23], $0x2000  }
0xec: {  	[sflag:s23] =	ssyncset.done $0x0  }
0xed: {  	[sflag:s23] =	ssyncadd.s32 $0xFFFFE000  }
0xee: {  	_ =	strace $0x9000004B  }
0xef: {  	_ =	strace $0x8000004C  }
0xf0: {  	[hbm4b:s3+s2] =	stream.linear.scatter [tilespmem:s10], [sflag:$0x9], $0x2000, $0x200038;
	[tilespmem:$0x12180] =	vst v63  }
0xf1: {  	_ =	strace $0x9000004C  }
0xf2: {  	_ =	strace $0x8000004D  }
0xf3: {  	_ =	swait.ge [sflag:s24], $0x2000  }
0xf4: {  	[sflag:s24] =	ssyncset.done $0x0  }
0xf5: {  	[sflag:s24] =	ssyncadd.s32 $0xFFFFE000  }
0xf6: {  	_ =	strace $0x9000004D  }
0xf7: {  	_ =	strace $0x8000004E  }
0xf8: {  	s20 =	rddreg [dreg:$0x7]  }
0xf9: {  	[hbm4b:s20+s2] =	stream.linear.scatter [tilespmem:s11], [sflag:$0x9], $0x2000, $0x200038;
	[tilespmem:$0x12180] =	vst v63  }
0xfa: {  	_ =	strace $0x9000004E  }
0xfb: {  	_ =	strace $0x8000004F  }
0xfc: {  	_ =	swait.ge [sflag:s25], $0x2000  }
0xfd: {  	[sflag:s25] =	ssyncset.done $0x0  }
0xfe: {  	[sflag:s25] =	ssyncadd.s32 $0xFFFFE000  }
0xff: {  	_ =	strace $0x9000004F  }
0x100: {  	_ =	strace $0x80000050  }
0x101: {  	s17 =	rddreg [dreg:$0x8]  }
0x102: {  	[hbm4b:s17+s2] =	stream.linear.scatter [tilespmem:s12], [sflag:$0x9], $0x2000, $0x200038;
	[tilespmem:$0x12180] =	vst v63  }
0x103: {  	_ =	strace $0x90000050  }
0x104: {  	_ =	strace $0x80000051  }
0x105: {  	_ =	swait.ge [sflag:s26], $0x2000  }
0x106: {  	[sflag:s26] =	ssyncset.done $0x0  }
0x107: {  	[sflag:s26] =	ssyncadd.s32 $0xFFFFE000  }
0x108: {  	_ =	strace $0x90000051  }
0x109: {  	_ =	strace $0x80000052  }
0x10a: {  	s18 =	rddreg [dreg:$0x9]  }
0x10b: {  	[hbm4b:s18+s2] =	stream.linear.scatter [tilespmem:s13], [sflag:$0x9], $0x2000, $0x200038;
	[tilespmem:$0x12180] =	vst v63  }
0x10c: {  	_ =	strace $0x90000052  }
0x10d: {  	_ =	strace $0x80000053  }
0x10e: {  	_ =	swait.ge [sflag:s28], $0x2000  }
0x10f: {  	[sflag:s28] =	ssyncset.done $0x0  }
0x110: {  	[sflag:s28] =	ssyncadd.s32 $0xFFFFE000  }
0x111: {  	_ =	strace $0x90000053  }
0x112: {  	_ =	strace $0x80000054  }
0x113: {  	s20 =	rddreg [dreg:$0xa]  }
0x114: {  	[hbm4b:s20+s2] =	stream.linear.scatter [tilespmem:s14], [sflag:$0x9], $0x2000, $0x200038;
	[tilespmem:$0x12180] =	vst v63  }
0x115: {  	_ =	strace $0x90000054  }
0x116: {  	_ =	strace $0x80000055  }
0x117: {  	_ =	swait.ge [sflag:s29], $0x2000  }
0x118: {  	[sflag:s29] =	ssyncset.done $0x0  }
0x119: {  	[sflag:s29] =	ssyncadd.s32 $0xFFFFE000  }
0x11a: {  	_ =	strace $0x90000055  }
0x11b: {  	_ =	strace $0x80000056  }
0x11c: {  	s17 =	rddreg [dreg:$0xb]  }
0x11d: {  	[hbm4b:s17+s2] =	stream.linear.scatter [tilespmem:s15], [sflag:$0x9], $0x2000, $0x200038;
	[tilespmem:$0x12180] =	vst v63  }
0x11e: {  	_ =	strace $0x90000056  }
0x11f: {  	_ =	strace $0x80000057  }
0x120: {  	_ =	swait.ge [sflag:s30], $0x2000  }
0x121: {  	[sflag:s30] =	ssyncset.done $0x0  }
0x122: {  	[sflag:s30] =	ssyncadd.s32 $0xFFFFE000  }
0x123: {  	_ =	strace $0x90000057  }
0x124: {  	_ =	strace $0x80000058  }
0x125: {  	s18 =	rddreg [dreg:$0xc]  }
0x126: {  	[hbm4b:s18+s2] =	stream.linear.scatter [tilespmem:s16], [sflag:$0x9], $0x2000, $0x200038;
	[tilespmem:$0x12180] =	vst v63  }
0x127: {  	_ =	strace $0x90000058  }
0x128: {  	_ =	strace $0x80000059  }
0x129: {  	_ =	swait.ge [sflag:s31], $0x2000  }
0x12a: {  	[sflag:s31] =	ssyncset.done $0x0  }
0x12b: {  	[sflag:s31] =	ssyncadd.s32 $0xFFFFE000  }
0x12c: {  	_ =	strace $0x90000059  }
0x12d: {  	_ =	strace $0x8000005A  }
0x12e: {  	s20 =	rddreg [dreg:$0xd]  }
0x12f: {  	[hbm4b:s20+s2] =	stream.linear.scatter [tilespmem:s19], [sflag:$0x9], $0x2000, $0x200038;
	[tilespmem:$0x12180] =	vst v63  }
0x130: {  	_ =	strace $0x9000005A  }
0x131: {  	_ =	strace $0x8000005B  }
0x132: {  	_ =	swait.ge [sflag:s1], $0x2000  }
0x133: {  	[sflag:s1] =	ssyncset.done $0x0  }
0x134: {  	[sflag:s1] =	ssyncadd.s32 $0xFFFFE000  }
0x135: {  	_ =	swait.ge [sflag:s1], $0x2000  }
0x136: {  	[sflag:s1] =	ssyncset.done $0x0  }
0x137: {  	[sflag:s1] =	ssyncadd.s32 $0xFFFFE000  }
0x138: {  	_ =	swait.ge [sflag:s1], $0x2000  }
0x139: {  	[sflag:s1] =	ssyncset.done $0x0  }
0x13a: {  	[sflag:s1] =	ssyncadd.s32 $0xFFFFE000  }
0x13b: {  	_ =	swait.ge [sflag:s1], $0x2000  }
0x13c: {  	[sflag:s1] =	ssyncset.done $0x0  }
0x13d: {  	[sflag:s1] =	ssyncadd.s32 $0xFFFFE000  }
0x13e: {  	_ =	swait.ge [sflag:s1], $0x2000  }
0x13f: {  	[sflag:s1] =	ssyncset.done $0x0  }
0x140: {  	[sflag:s1] =	ssyncadd.s32 $0xFFFFE000  }
0x141: {  	_ =	swait.ge [sflag:s1], $0x2000  }
0x142: {  	[sflag:s1] =	ssyncset.done $0x0  }
0x143: {  	[sflag:s1] =	ssyncadd.s32 $0xFFFFE000  }
0x144: {  	_ =	swait.ge [sflag:s1], $0x2000  }
0x145: {  	p0 =	sne.s32 s6, $0x1;
	[sflag:s1] =	ssyncset.done $0x0  }
.Ltmp0:
0x146: {  	[sflag:s1] =	ssyncadd.s32 $0xFFFFE000;
	(pc) =	sbr.rel @p0 .LBB2_1-.Ltmp0, $4  }
0x147: {  	_ =	swait.ge [sflag:s1], $0x2000  }
0x148: {  	[sflag:s1] =	ssyncset.done $0x0  }
0x149: {  	[sflag:s1] =	ssyncadd.s32 $0xFFFFE000  }
0x14a: {  	s6 =	sadd.s32 $0xFFFFFFFF, s6;
	_ =	strace $0x9000005B  }
0x14b: {  	_ =	sfence.sel $0x180000  }
0x14c: {  	[bflag:$0x0] =	sbarrier.arrive $0xFFFF  }
0x14d: {  	_ =	strace $0x90000047  }
0x14e: {  	s0 =	stileid.u32;
	[bflag:$0x2] =	sbarrier.arrive $0xFFFF  }
0x14f: {  	p0 =	sne.s32 s0, $0x0;
	s0 =	rddreg [dreg:$0x3]  }
0x150: {  	s0 =	sadd.s32 @!p0 $0x100000, s0  }
0x151: {  	[sflag:s0] =	ssyncadd.tile.s32 @!p0 $0x1;
	_ =	shalt  }
.Lfunc_end2:
_tile_overlayer_lowered:
.L_overlay_start_2:
0x152: {  	(tag) =	ssettag $0x2  }
0x153: {  	s0 =	rddreg [dreg:$0x0];
	s2 =	stileid.u32  }
0x154: {  	s1 =	rddreg [dreg:$0x1];
	p0 =	sne.s32 s2, $0x0  }
0x155: {  	s3 =	rddreg [dreg:$0x2];
	[bflag:$0x3] =	sbarrier.arrive $0xFFFF;
	s2 =	simm.s32 @!p0 $0x1C0C  }
0x156: {  	[timem:s3], [sflag:s2] =	dma.local @!p0 [hbm:s0], s1  }
0x157: {  	s0 =	simm.s32 @!p0 $0xC  }
0x158: {  	_ =	swait.ge @!p0 [sflag:s0], s1  }
0x159: {  	s1 =	ssub.s32 @!p0 $0x0, s1;
	[sflag:s0] =	ssyncset.done @!p0 $0x0  }
0x15a: {  	[sflag:s0] =	ssyncadd.s32 @!p0 s1  }
0x15b: {  	[bflag:$0x3] =	sbarrier.arrive $0xFFFF  }
0x15c: {  	_ =	shalt  }

</sc_bundles>
